<compile_context>
chip_gen: v7x
topology: tpu7x:2x2x1
jax: 0.10.2.dev20260603
libtpu: 0.0.44.dev20260713+nightly
codegen_flags: <defaults>
</compile_context>

<pallas_src>
import jax
import jax.numpy as jnp
from jax import lax
from jax.experimental import pallas as pl
from jax.experimental.pallas import tpu as pltpu
from jax.experimental.pallas import tpu_sc as plsc

B, L, K, V, D = 4096, 200, 20, 1000000, 32

NC, NS = 2, 16
NW = NC * NS

PACK = 128 // D
VP = V // PACK


_TOPK_ROWS = 256


def _topk_body(seq_ref, mask_ref, g_ref, out_ref):
  seq = seq_ref[...]
  mask = mask_ref[...]
  g = g_ref[...]
  neg_inf = jnp.float32(-jnp.inf)

  n_valid = jnp.sum(mask, axis=1, keepdims=True)
  w = jnp.where(n_valid > K, seq * mask, seq).astype(jnp.float32)
  logw = jnp.where(w > 0, jnp.log(jnp.maximum(w, 1e-30)), neg_inf)
  scores = jnp.where(logw > neg_inf, logw + g, neg_inf)

  col = lax.broadcasted_iota(jnp.int32, scores.shape, 1)
  big = jnp.int32(1 << 30)
  taken = jnp.zeros(scores.shape, jnp.bool_)
  for k in range(K):
    m = jnp.max(scores, axis=1, keepdims=True)
    is_max = (scores == m) & (~taken)
    idx = jnp.min(jnp.where(is_max, col, big), axis=1, keepdims=True)
    sel = col == idx
    val = jnp.sum(jnp.where(sel, seq, 0), axis=1, keepdims=True)
    out_ref[:, k : k + 1] = val
    taken = taken | sel
    scores = jnp.where(sel, neg_inf, scores)


def _run_topk(seq, mask, g):
  grid = B // _TOPK_ROWS
  return pl.pallas_call(
      _topk_body,
      grid=(grid,),
      in_specs=[
          pl.BlockSpec((_TOPK_ROWS, L), lambda i: (i, 0)),
          pl.BlockSpec((_TOPK_ROWS, L), lambda i: (i, 0)),
          pl.BlockSpec((_TOPK_ROWS, L), lambda i: (i, 0)),
      ],
      out_specs=pl.BlockSpec((_TOPK_ROWS, K), lambda i: (i, 0)),
      out_shape=jax.ShapeDtypeStruct((B, K), jnp.int32),
  )(seq, mask, g)



SEQ_N = B * L
SAMP_N = B * K
GCHUNK = 256


def _sc_gather_body(n_rows, table, idx_hbm, out, idx_v, rows_a, rows_b,
                    sem_a, sem_b):
  wid = lax.axis_index("s") * NC + lax.axis_index("c")
  per_w = n_rows // NW
  n_chunks = per_w // GCHUNK
  base = wid * per_w

  pltpu.sync_copy(idx_hbm.at[pl.ds(base, per_w)], idx_v)

  def start(j, buf, sem):
    pltpu.async_copy(
        table.at[idx_v.at[pl.ds(j * GCHUNK, GCHUNK)]], buf, sem)

  def drain(j, buf, sem):
    pltpu.make_async_copy(
        table.at[idx_v.at[pl.ds(j * GCHUNK, GCHUNK)]], buf, sem).wait()
    pltpu.sync_copy(buf, out.at[pl.ds(base + j * GCHUNK, GCHUNK)])

  start(0, rows_a, sem_a)

  def pair(t, _):
    j = t * 2
    start(j + 1, rows_b, sem_b)
    drain(j, rows_a, sem_a)
    start(j + 2, rows_a, sem_a)
    drain(j + 1, rows_b, sem_b)
    return 0

  lax.fori_loop(0, n_chunks // 2 - 1, pair, 0)
  j = n_chunks - 2
  start(j + 1, rows_b, sem_b)
  drain(j, rows_a, sem_a)
  drain(j + 1, rows_b, sem_b)


def _make_sc_gather(n_rows):
  mesh = plsc.VectorSubcoreMesh(
      core_axis_name="c", subcore_axis_name="s", num_cores=NC,
      num_subcores=NS)

  def body(table, idx_hbm, out, idx_v, rows_a, rows_b, sem_a, sem_b):
    _sc_gather_body(n_rows, table, idx_hbm, out, idx_v, rows_a, rows_b,
                    sem_a, sem_b)

  return pl.kernel(
      body,
      out_type=jax.ShapeDtypeStruct((n_rows, 128), jnp.float32),
      mesh=mesh,
      scratch_types=[
          pltpu.VMEM((n_rows // NW,), jnp.int32),
          pltpu.VMEM((GCHUNK, 128), jnp.float32),
          pltpu.VMEM((GCHUNK, 128), jnp.float32),
          pltpu.SemaphoreType.DMA,
          pltpu.SemaphoreType.DMA,
      ],
  )


_sc_gather_seq = _make_sc_gather(SEQ_N)
_sc_gather_samp = _make_sc_gather(SAMP_N)



_BB = 16
_XRB = _BB * L
_NRB = _BB * K


def _dense_body(xs_ref, seq_ref, ns_ref, samp_ref, wsx4_ref, wnx4_ref,
                bs_ref, bl_ref, out_ref):
  lane_n = lax.broadcasted_iota(jnp.int32, (_BB, K, 128), 2) // D
  nm = jnp.where(lane_n == (samp_ref[...] & 3)[:, :, None], ns_ref[...], 0.0)
  srow = jnp.sum(nm, axis=1)
  rowb = jnp.dot(srow, wnx4_ref[...], preferred_element_type=jnp.float32)
  rowb = rowb + bl_ref[...]

  lane_x = lax.broadcasted_iota(jnp.int32, (_BB, L, 128), 2) // D
  xm = jnp.where(lane_x == (seq_ref[...] & 3)[:, :, None], xs_ref[...], 0.0)
  y = lax.dot_general(
      xm, wsx4_ref[...], (((2,), (0,)), ((), ())),
      preferred_element_type=jnp.float32)
  out_ref[...] = jnp.maximum(y + bs_ref[...] + rowb[:, None, :], 0.0)


def _run_dense(xs3, seq, ns3, sampled, wsx4, wnx4, bs, bl):
  grid = B // _BB
  return pl.pallas_call(
      _dense_body,
      grid=(grid,),
      in_specs=[
          pl.BlockSpec((_BB, L, 128), lambda i: (i, 0, 0)),
          pl.BlockSpec((_BB, L), lambda i: (i, 0)),
          pl.BlockSpec((_BB, K, 128), lambda i: (i, 0, 0)),
          pl.BlockSpec((_BB, K), lambda i: (i, 0)),
          pl.BlockSpec((128, D), lambda i: (0, 0)),
          pl.BlockSpec((128, D), lambda i: (0, 0)),
          pl.BlockSpec((1, D), lambda i: (0, 0)),
          pl.BlockSpec((1, D), lambda i: (0, 0)),
      ],
      out_specs=pl.BlockSpec((_BB, L, D), lambda i: (i, 0, 0)),
      out_shape=jax.ShapeDtypeStruct((B, L, D), jnp.float32),
  )(xs3, seq, ns3, sampled, wsx4, wnx4, bs, bl)




@jax.jit
def _kernel_impl(seq, mask, emb_item, linear_w, linear_b, self_linear_w,
                 self_linear_b):
  gum = jax.random.gumbel(jax.random.key(42), (B, L), dtype=jnp.float32)

  table_packed = emb_item.reshape(VP, 128)
  seq_flat = seq.reshape(SEQ_N)

  seq_rows = _sc_gather_seq(table_packed, seq_flat >> 2)

  sampled = _run_topk(seq, mask, gum)
  samp_rows = _sc_gather_samp(table_packed, sampled.reshape(SAMP_N) >> 2)

  wsx4 = jnp.tile(self_linear_w.T, (PACK, 1))
  wnx4 = jnp.tile(linear_w.T / K, (PACK, 1))

  return _run_dense(
      seq_rows.reshape(B, L, 128), seq,
      samp_rows.reshape(B, K, 128), sampled,
      wsx4, wnx4,
      self_linear_b.reshape(1, D), linear_b.reshape(1, D))


def kernel(user_indices, item_indices, seq, mask, emb_item, linear_w,
           linear_b, self_linear_w, self_linear_b):
  del user_indices, item_indices
  return _kernel_impl(seq, mask, emb_item, linear_w, linear_b,
                      self_linear_w, self_linear_b)

# --- scband reference (transcript-rebuilt; emitter-appended) ---
"""Pipeline reference for scband-graph-sagelayer-87514253624198 (READ-ONLY COPY).

The authoritative reference and input builder live on the scoring server;
editing this copy changes nothing except your own understanding.
"""

import jax, jax.numpy as jnp
import numpy as np

B, L, K, V, D = 4096, 200, 20, 1000000, 32


def setup_inputs(seed: int = 0) -> dict:
    key = jax.random.key(seed)
    ks = jax.random.split(key, 8)
    user_indices = jax.random.randint(ks[0], (B,), 0, V, dtype=jnp.int64) if jax.config.jax_enable_x64 else jax.random.randint(ks[0], (B,), 0, V).astype(jnp.int32)
    item_indices = jax.random.randint(ks[1], (B,), 0, V).astype(jnp.int32)
    seq = jax.random.randint(ks[2], (B, L), 0, V).astype(jnp.int32)
    mask = jax.random.randint(ks[3], (B, L), 0, 2).astype(jnp.int32)
    emb_item = jax.random.normal(ks[4], (V, D), dtype=jnp.float32) * 0.1
    linear_w = jax.random.normal(ks[5], (D, D), dtype=jnp.float32) * 0.05
    linear_b = jnp.zeros((D,), dtype=jnp.float32)
    self_linear_w = jax.random.normal(ks[6], (D, D), dtype=jnp.float32) * 0.05
    self_linear_b = jnp.zeros((D,), dtype=jnp.float32)
    return {
        'user_indices': user_indices.astype(jnp.int32),
        'item_indices': item_indices,
        'seq': seq,
        'mask': mask,
        'emb_item': emb_item,
        'linear_w': linear_w,
        'linear_b': linear_b,
        'self_linear_w': self_linear_w,
        'self_linear_b': self_linear_b,
    }


def _sample_neighbors(seq, mask, k):
    # torch.multinomial(weights, k, replacement=False) emulated via Gumbel top-k.
    # Per-row: if number of valid (masked-in) neighbors > k, sample from valid
    # neighbors with the item-id values as weights; otherwise sample from all
    # neighbors with item-id values as weights (matching the torch branch logic).
    n_valid = jnp.sum(mask, axis=1)
    w = jnp.where((n_valid > k)[:, None], seq * mask, seq).astype(jnp.float32)
    logw = jnp.where(w > 0, jnp.log(jnp.maximum(w, 1e-30)), -jnp.inf)
    g = jax.random.gumbel(jax.random.key(42), logw.shape, dtype=jnp.float32)
    scores = jnp.where(jnp.isfinite(logw), logw + g, -jnp.inf)
    _, idx = jax.lax.top_k(scores, k)
    return jnp.take_along_axis(seq, idx, axis=1)


def reference(user_indices, item_indices, seq, mask, emb_item, linear_w, linear_b, self_linear_w, self_linear_b):
    # seq_embeddings = emb_item(seq)
    seq_emb = jnp.take(emb_item, seq, axis=0)  # [B, L, D]
    # sampled_neighbors_item = sample_neighbors(seq, user_indices, mask)
    sampled = _sample_neighbors(seq, mask, K)  # [B, K]
    neigh_emb = jnp.take(emb_item, sampled, axis=0)  # [B, K, D]
    agg = jnp.mean(neigh_emb, axis=1)  # [B, D]
    agg_exp = agg[:, None, :]  # broadcast over L (expand)
    item_agg = jax.nn.relu(
        seq_emb @ self_linear_w.T + self_linear_b
        + (agg_exp @ linear_w.T + linear_b)
    )
    return item_agg

if __name__ == "__main__":
    import jax
    _d = setup_inputs()
    print(jax.jit(kernel)(*tuple(_d.values())))

</pallas_src>

<mosaic_0001>
#map = affine_map<(d0, d1) -> (0, 0)>
#map1 = affine_map<(d0, d1) -> (0)>
module attributes {stable_mosaic.version = 14 : i64} {
  func.func @body(%arg0: i32, %arg1: i32, %arg2: memref<250000x128xf32, #tpu.memory_space<hbm>>, %arg3: memref<819200xi32, #tpu.memory_space<hbm>>, %arg4: memref<819200x128xf32, #tpu.memory_space<hbm>>, %arg5: memref<25600xi32, #tpu.memory_space<vmem>>, %arg6: memref<256x128xf32, #tpu.memory_space<vmem>>, %arg7: memref<256x128xf32, #tpu.memory_space<vmem>>, %arg8: memref<!tpu.dma_semaphore, #tpu.memory_space<semaphore_mem>>, %arg9: memref<!tpu.dma_semaphore, #tpu.memory_space<semaphore_mem>>) attributes {dimension_semantics = [#tpu.dimension_semantics<core_parallel>, #tpu.dimension_semantics<subcore_parallel>], iteration_bounds = array<i64: 2, 16>, scalar_prefetch = 0 : i64, scratch_operands = 5 : i64, tpu.core_type = #tpu.core_type<sc_vector_subcore>, window_params = [{transform_indices = #map}, {transform_indices = #map1}, {transform_indices = #map}]} {
    %mul3A = arith.constant 2 : i32
    %mul3A_0 = arith.muli %arg1, %mul3A : i32
    %add3A = arith.addi %mul3A_0, %arg0 : i32
    %mul3A_1 = arith.constant 25600 : i32
    %mul3A_2 = arith.muli %add3A, %mul3A_1 : i32
    "tpu.region"() ({
      %run_scoped3A = tpu.sem_alloc : memref<!tpu.dma_semaphore, #tpu.memory_space<semaphore_mem>>
      %dma_start3A_31 = tpu.memref_slice %arg3[%mul3A_2] : memref<819200xi32, #tpu.memory_space<hbm>> -> memref<25600xi32, #tpu.memory_space<hbm>>
      %dma_start3A_32 = tpu.memref_slice %arg3[%mul3A_2] : memref<819200xi32, #tpu.memory_space<hbm>> -> memref<25600xi32, #tpu.memory_space<hbm>>
      tpu.enqueue_dma source(%dma_start3A_32 : memref<25600xi32, #tpu.memory_space<hbm>>) target(%arg5 : memref<25600xi32, #tpu.memory_space<vmem>>) target_semaphore(%run_scoped3A : memref<!tpu.dma_semaphore, #tpu.memory_space<semaphore_mem>>)
      %dma_wait3A_33 = tpu.memref_slice %arg3[%mul3A_2] : memref<819200xi32, #tpu.memory_space<hbm>> -> memref<25600xi32, #tpu.memory_space<hbm>>
      %dma_wait3A_34 = tpu.memref_slice %arg3[%mul3A_2] : memref<819200xi32, #tpu.memory_space<hbm>> -> memref<25600xi32, #tpu.memory_space<hbm>>
      tpu.wait_dma2 semaphore(%run_scoped3A : memref<!tpu.dma_semaphore, #tpu.memory_space<semaphore_mem>>) src(%dma_wait3A_34 : memref<25600xi32, #tpu.memory_space<hbm>>) dst(%arg5 : memref<25600xi32, #tpu.memory_space<vmem>>)
      tpu.yield
    }) : () -> ()
    %dma_start3A = arith.constant 0 : i32
    %dma_start3A_3 = tpu.memref_slice %arg5[%dma_start3A] : memref<25600xi32, #tpu.memory_space<vmem>> -> memref<256xi32, #tpu.memory_space<vmem>>
    %dma_start3A_4 = arith.constant 0 : i32
    %dma_start3A_5 = arith.constant 0 : i32
    %dma_start3A_6 = tpu.memref_slice %arg2[%dma_start3A_4, %dma_start3A_5] : memref<250000x128xf32, #tpu.memory_space<hbm>> -> memref<250000x128xf32, #tpu.memory_space<hbm>>
    tpu.enqueue_indirect_dma source(%dma_start3A_6 : memref<250000x128xf32, #tpu.memory_space<hbm>>) target(%arg6 : memref<256x128xf32, #tpu.memory_space<vmem>>) offsets(%dma_start3A_3 : memref<256xi32, #tpu.memory_space<vmem>>) semaphore(%arg8 : memref<!tpu.dma_semaphore, #tpu.memory_space<semaphore_mem>>)
    %scan3A = arith.constant 0 : i32
    %scan3A_7 = arith.constant 0 : i32
    %scan3A_8 = arith.constant 49 : i32
    %scan3A_9 = arith.addi %scan3A_7, %scan3A_8 : i32
    %scan3A_10 = arith.constant 1 : i32
    %scan3A_11 = scf.for %scan3A_31 = %scan3A_7 to %scan3A_9 step %scan3A_10 iter_args(%scan3A_32 = %scan3A) -> (i32)  : i32 {
      %mul3A_33 = arith.constant 2 : i32
      %mul3A_34 = arith.muli %scan3A_31, %mul3A_33 : i32
      %add3A_35 = arith.constant 1 : i32
      %add3A_36 = arith.addi %mul3A_34, %add3A_35 : i32
      %mul3A_37 = arith.constant 256 : i32
      %mul3A_38 = arith.muli %add3A_36, %mul3A_37 : i32
      %dma_start3A_39 = tpu.memref_slice %arg5[%mul3A_38] : memref<25600xi32, #tpu.memory_space<vmem>> -> memref<256xi32, #tpu.memory_space<vmem>>
      %dma_start3A_40 = arith.constant 0 : i32
      %dma_start3A_41 = arith.constant 0 : i32
      %dma_start3A_42 = tpu.memref_slice %arg2[%dma_start3A_40, %dma_start3A_41] : memref<250000x128xf32, #tpu.memory_space<hbm>> -> memref<250000x128xf32, #tpu.memory_space<hbm>>
      tpu.enqueue_indirect_dma source(%dma_start3A_42 : memref<250000x128xf32, #tpu.memory_space<hbm>>) target(%arg7 : memref<256x128xf32, #tpu.memory_space<vmem>>) offsets(%dma_start3A_39 : memref<256xi32, #tpu.memory_space<vmem>>) semaphore(%arg9 : memref<!tpu.dma_semaphore, #tpu.memory_space<semaphore_mem>>)
      %mul3A_43 = arith.constant 256 : i32
      %mul3A_44 = arith.muli %mul3A_34, %mul3A_43 : i32
      %dma_wait3A_45 = tpu.memref_slice %arg5[%mul3A_44] : memref<25600xi32, #tpu.memory_space<vmem>> -> memref<256xi32, #tpu.memory_space<vmem>>
      %dma_wait3A_46 = arith.constant 0 : i32
      %dma_wait3A_47 = arith.constant 0 : i32
      %dma_wait3A_48 = tpu.memref_slice %arg2[%dma_wait3A_46, %dma_wait3A_47] : memref<250000x128xf32, #tpu.memory_space<hbm>> -> memref<250000x128xf32, #tpu.memory_space<hbm>>
      tpu.wait_indirect_dma semaphore(%arg8 : memref<!tpu.dma_semaphore, #tpu.memory_space<semaphore_mem>>) src(%dma_wait3A_48 : memref<250000x128xf32, #tpu.memory_space<hbm>>) dst(%arg6 : memref<256x128xf32, #tpu.memory_space<vmem>>)
      %mul3A_49 = arith.constant 256 : i32
      %mul3A_50 = arith.muli %mul3A_34, %mul3A_49 : i32
      %add3A_51 = arith.addi %mul3A_2, %mul3A_50 : i32
      "tpu.region"() ({
        %run_scoped3A = tpu.sem_alloc : memref<!tpu.dma_semaphore, #tpu.memory_space<semaphore_mem>>
        %dma_start3A_72 = arith.constant 0 : i32
        %dma_start3A_73 = tpu.memref_slice %arg4[%add3A_51, %dma_start3A_72] : memref<819200x128xf32, #tpu.memory_space<hbm>> -> memref<256x128xf32, #tpu.memory_space<hbm>>
        %dma_start3A_74 = arith.constant 0 : i32
        %dma_start3A_75 = tpu.memref_slice %arg4[%add3A_51, %dma_start3A_74] : memref<819200x128xf32, #tpu.memory_space<hbm>> -> memref<256x128xf32, #tpu.memory_space<hbm>>
        tpu.enqueue_dma source(%arg6 : memref<256x128xf32, #tpu.memory_space<vmem>>) target(%dma_start3A_75 : memref<256x128xf32, #tpu.memory_space<hbm>>) target_semaphore(%run_scoped3A : memref<!tpu.dma_semaphore, #tpu.memory_space<semaphore_mem>>)
        %dma_wait3A_76 = arith.constant 0 : i32
        %dma_wait3A_77 = tpu.memref_slice %arg4[%add3A_51, %dma_wait3A_76] : memref<819200x128xf32, #tpu.memory_space<hbm>> -> memref<256x128xf32, #tpu.memory_space<hbm>>
        %dma_wait3A_78 = arith.constant 0 : i32
        %dma_wait3A_79 = tpu.memref_slice %arg4[%add3A_51, %dma_wait3A_78] : memref<819200x128xf32, #tpu.memory_space<hbm>> -> memref<256x128xf32, #tpu.memory_space<hbm>>
        tpu.wait_dma2 semaphore(%run_scoped3A : memref<!tpu.dma_semaphore, #tpu.memory_space<semaphore_mem>>) src(%arg6 : memref<256x128xf32, #tpu.memory_space<vmem>>) dst(%dma_wait3A_79 : memref<256x128xf32, #tpu.memory_space<hbm>>)
        tpu.yield
      }) : () -> ()
      %add3A_52 = arith.constant 2 : i32
      %add3A_53 = arith.addi %mul3A_34, %add3A_52 : i32
      %mul3A_54 = arith.constant 256 : i32
      %mul3A_55 = arith.muli %add3A_53, %mul3A_54 : i32
      %dma_start3A_56 = tpu.memref_slice %arg5[%mul3A_55] : memref<25600xi32, #tpu.memory_space<vmem>> -> memref<256xi32, #tpu.memory_space<vmem>>
      %dma_start3A_57 = arith.constant 0 : i32
      %dma_start3A_58 = arith.constant 0 : i32
      %dma_start3A_59 = tpu.memref_slice %arg2[%dma_start3A_57, %dma_start3A_58] : memref<250000x128xf32, #tpu.memory_space<hbm>> -> memref<250000x128xf32, #tpu.memory_space<hbm>>
      tpu.enqueue_indirect_dma source(%dma_start3A_59 : memref<250000x128xf32, #tpu.memory_space<hbm>>) target(%arg6 : memref<256x128xf32, #tpu.memory_space<vmem>>) offsets(%dma_start3A_56 : memref<256xi32, #tpu.memory_space<vmem>>) semaphore(%arg8 : memref<!tpu.dma_semaphore, #tpu.memory_space<semaphore_mem>>)
      %add3A_60 = arith.constant 1 : i32
      %add3A_61 = arith.addi %mul3A_34, %add3A_60 : i32
      %mul3A_62 = arith.constant 256 : i32
      %mul3A_63 = arith.muli %add3A_61, %mul3A_62 : i32
      %dma_wait3A_64 = tpu.memref_slice %arg5[%mul3A_63] : memref<25600xi32, #tpu.memory_space<vmem>> -> memref<256xi32, #tpu.memory_space<vmem>>
      %dma_wait3A_65 = arith.constant 0 : i32
      %dma_wait3A_66 = arith.constant 0 : i32
      %dma_wait3A_67 = tpu.memref_slice %arg2[%dma_wait3A_65, %dma_wait3A_66] : memref<250000x128xf32, #tpu.memory_space<hbm>> -> memref<250000x128xf32, #tpu.memory_space<hbm>>
      tpu.wait_indirect_dma semaphore(%arg9 : memref<!tpu.dma_semaphore, #tpu.memory_space<semaphore_mem>>) src(%dma_wait3A_67 : memref<250000x128xf32, #tpu.memory_space<hbm>>) dst(%arg7 : memref<256x128xf32, #tpu.memory_space<vmem>>)
      %mul3A_68 = arith.constant 256 : i32
      %mul3A_69 = arith.muli %add3A_61, %mul3A_68 : i32
      %add3A_70 = arith.addi %mul3A_2, %mul3A_69 : i32
      "tpu.region"() ({
        %run_scoped3A = tpu.sem_alloc : memref<!tpu.dma_semaphore, #tpu.memory_space<semaphore_mem>>
        %dma_start3A_72 = arith.constant 0 : i32
        %dma_start3A_73 = tpu.memref_slice %arg4[%add3A_70, %dma_start3A_72] : memref<819200x128xf32, #tpu.memory_space<hbm>> -> memref<256x128xf32, #tpu.memory_space<hbm>>
        %dma_start3A_74 = arith.constant 0 : i32
        %dma_start3A_75 = tpu.memref_slice %arg4[%add3A_70, %dma_start3A_74] : memref<819200x128xf32, #tpu.memory_space<hbm>> -> memref<256x128xf32, #tpu.memory_space<hbm>>
        tpu.enqueue_dma source(%arg7 : memref<256x128xf32, #tpu.memory_space<vmem>>) target(%dma_start3A_75 : memref<256x128xf32, #tpu.memory_space<hbm>>) target_semaphore(%run_scoped3A : memref<!tpu.dma_semaphore, #tpu.memory_space<semaphore_mem>>)
        %dma_wait3A_76 = arith.constant 0 : i32
        %dma_wait3A_77 = tpu.memref_slice %arg4[%add3A_70, %dma_wait3A_76] : memref<819200x128xf32, #tpu.memory_space<hbm>> -> memref<256x128xf32, #tpu.memory_space<hbm>>
        %dma_wait3A_78 = arith.constant 0 : i32
        %dma_wait3A_79 = tpu.memref_slice %arg4[%add3A_70, %dma_wait3A_78] : memref<819200x128xf32, #tpu.memory_space<hbm>> -> memref<256x128xf32, #tpu.memory_space<hbm>>
        tpu.wait_dma2 semaphore(%run_scoped3A : memref<!tpu.dma_semaphore, #tpu.memory_space<semaphore_mem>>) src(%arg7 : memref<256x128xf32, #tpu.memory_space<vmem>>) dst(%dma_wait3A_79 : memref<256x128xf32, #tpu.memory_space<hbm>>)
        tpu.yield
      }) : () -> ()
      %scan3A_71 = arith.constant 0 : i32
      scf.yield %scan3A_71 : i32
    }
    %scan3A_12 = arith.constant 49 : i32
    %dma_start3A_13 = arith.constant 25344 : i32
    %dma_start3A_14 = tpu.memref_slice %arg5[%dma_start3A_13] : memref<25600xi32, #tpu.memory_space<vmem>> -> memref<256xi32, #tpu.memory_space<vmem>>
    %dma_start3A_15 = arith.constant 0 : i32
    %dma_start3A_16 = arith.constant 0 : i32
    %dma_start3A_17 = tpu.memref_slice %arg2[%dma_start3A_15, %dma_start3A_16] : memref<250000x128xf32, #tpu.memory_space<hbm>> -> memref<250000x128xf32, #tpu.memory_space<hbm>>
    tpu.enqueue_indirect_dma source(%dma_start3A_17 : memref<250000x128xf32, #tpu.memory_space<hbm>>) target(%arg7 : memref<256x128xf32, #tpu.memory_space<vmem>>) offsets(%dma_start3A_14 : memref<256xi32, #tpu.memory_space<vmem>>) semaphore(%arg9 : memref<!tpu.dma_semaphore, #tpu.memory_space<semaphore_mem>>)
    %dma_wait3A = arith.constant 25088 : i32
    %dma_wait3A_18 = tpu.memref_slice %arg5[%dma_wait3A] : memref<25600xi32, #tpu.memory_space<vmem>> -> memref<256xi32, #tpu.memory_space<vmem>>
    %dma_wait3A_19 = arith.constant 0 : i32
    %dma_wait3A_20 = arith.constant 0 : i32
    %dma_wait3A_21 = tpu.memref_slice %arg2[%dma_wait3A_19, %dma_wait3A_20] : memref<250000x128xf32, #tpu.memory_space<hbm>> -> memref<250000x128xf32, #tpu.memory_space<hbm>>
    tpu.wait_indirect_dma semaphore(%arg8 : memref<!tpu.dma_semaphore, #tpu.memory_space<semaphore_mem>>) src(%dma_wait3A_21 : memref<250000x128xf32, #tpu.memory_space<hbm>>) dst(%arg6 : memref<256x128xf32, #tpu.memory_space<vmem>>)
    %add3A_22 = arith.constant 25088 : i32
    %add3A_23 = arith.addi %mul3A_2, %add3A_22 : i32
    "tpu.region"() ({
      %run_scoped3A = tpu.sem_alloc : memref<!tpu.dma_semaphore, #tpu.memory_space<semaphore_mem>>
      %dma_start3A_31 = arith.constant 0 : i32
      %dma_start3A_32 = tpu.memref_slice %arg4[%add3A_23, %dma_start3A_31] : memref<819200x128xf32, #tpu.memory_space<hbm>> -> memref<256x128xf32, #tpu.memory_space<hbm>>
      %dma_start3A_33 = arith.constant 0 : i32
      %dma_start3A_34 = tpu.memref_slice %arg4[%add3A_23, %dma_start3A_33] : memref<819200x128xf32, #tpu.memory_space<hbm>> -> memref<256x128xf32, #tpu.memory_space<hbm>>
      tpu.enqueue_dma source(%arg6 : memref<256x128xf32, #tpu.memory_space<vmem>>) target(%dma_start3A_34 : memref<256x128xf32, #tpu.memory_space<hbm>>) target_semaphore(%run_scoped3A : memref<!tpu.dma_semaphore, #tpu.memory_space<semaphore_mem>>)
      %dma_wait3A_35 = arith.constant 0 : i32
      %dma_wait3A_36 = tpu.memref_slice %arg4[%add3A_23, %dma_wait3A_35] : memref<819200x128xf32, #tpu.memory_space<hbm>> -> memref<256x128xf32, #tpu.memory_space<hbm>>
      %dma_wait3A_37 = arith.constant 0 : i32
      %dma_wait3A_38 = tpu.memref_slice %arg4[%add3A_23, %dma_wait3A_37] : memref<819200x128xf32, #tpu.memory_space<hbm>> -> memref<256x128xf32, #tpu.memory_space<hbm>>
      tpu.wait_dma2 semaphore(%run_scoped3A : memref<!tpu.dma_semaphore, #tpu.memory_space<semaphore_mem>>) src(%arg6 : memref<256x128xf32, #tpu.memory_space<vmem>>) dst(%dma_wait3A_38 : memref<256x128xf32, #tpu.memory_space<hbm>>)
      tpu.yield
    }) : () -> ()
    %dma_wait3A_24 = arith.constant 25344 : i32
    %dma_wait3A_25 = tpu.memref_slice %arg5[%dma_wait3A_24] : memref<25600xi32, #tpu.memory_space<vmem>> -> memref<256xi32, #tpu.memory_space<vmem>>
    %dma_wait3A_26 = arith.constant 0 : i32
    %dma_wait3A_27 = arith.constant 0 : i32
    %dma_wait3A_28 = tpu.memref_slice %arg2[%dma_wait3A_26, %dma_wait3A_27] : memref<250000x128xf32, #tpu.memory_space<hbm>> -> memref<250000x128xf32, #tpu.memory_space<hbm>>
    tpu.wait_indirect_dma semaphore(%arg9 : memref<!tpu.dma_semaphore, #tpu.memory_space<semaphore_mem>>) src(%dma_wait3A_28 : memref<250000x128xf32, #tpu.memory_space<hbm>>) dst(%arg7 : memref<256x128xf32, #tpu.memory_space<vmem>>)
    %add3A_29 = arith.constant 25344 : i32
    %add3A_30 = arith.addi %mul3A_2, %add3A_29 : i32
    "tpu.region"() ({
      %run_scoped3A = tpu.sem_alloc : memref<!tpu.dma_semaphore, #tpu.memory_space<semaphore_mem>>
      %dma_start3A_31 = arith.constant 0 : i32
      %dma_start3A_32 = tpu.memref_slice %arg4[%add3A_30, %dma_start3A_31] : memref<819200x128xf32, #tpu.memory_space<hbm>> -> memref<256x128xf32, #tpu.memory_space<hbm>>
      %dma_start3A_33 = arith.constant 0 : i32
      %dma_start3A_34 = tpu.memref_slice %arg4[%add3A_30, %dma_start3A_33] : memref<819200x128xf32, #tpu.memory_space<hbm>> -> memref<256x128xf32, #tpu.memory_space<hbm>>
      tpu.enqueue_dma source(%arg7 : memref<256x128xf32, #tpu.memory_space<vmem>>) target(%dma_start3A_34 : memref<256x128xf32, #tpu.memory_space<hbm>>) target_semaphore(%run_scoped3A : memref<!tpu.dma_semaphore, #tpu.memory_space<semaphore_mem>>)
      %dma_wait3A_35 = arith.constant 0 : i32
      %dma_wait3A_36 = tpu.memref_slice %arg4[%add3A_30, %dma_wait3A_35] : memref<819200x128xf32, #tpu.memory_space<hbm>> -> memref<256x128xf32, #tpu.memory_space<hbm>>
      %dma_wait3A_37 = arith.constant 0 : i32
      %dma_wait3A_38 = tpu.memref_slice %arg4[%add3A_30, %dma_wait3A_37] : memref<819200x128xf32, #tpu.memory_space<hbm>> -> memref<256x128xf32, #tpu.memory_space<hbm>>
      tpu.wait_dma2 semaphore(%run_scoped3A : memref<!tpu.dma_semaphore, #tpu.memory_space<semaphore_mem>>) src(%arg7 : memref<256x128xf32, #tpu.memory_space<vmem>>) dst(%dma_wait3A_38 : memref<256x128xf32, #tpu.memory_space<hbm>>)
      tpu.yield
    }) : () -> ()
    return
  }
}

#map = affine_map<(d0, d1) -> (0, 0)>
#map1 = affine_map<(d0, d1) -> (0)>
module attributes {stable_mosaic.version = 14 : i64} {
  func.func @body(%arg0: i32, %arg1: i32, %arg2: memref<250000x128xf32, #tpu.memory_space<hbm>>, %arg3: memref<81920xi32, #tpu.memory_space<hbm>>, %arg4: memref<81920x128xf32, #tpu.memory_space<hbm>>, %arg5: memref<2560xi32, #tpu.memory_space<vmem>>, %arg6: memref<256x128xf32, #tpu.memory_space<vmem>>, %arg7: memref<256x128xf32, #tpu.memory_space<vmem>>, %arg8: memref<!tpu.dma_semaphore, #tpu.memory_space<semaphore_mem>>, %arg9: memref<!tpu.dma_semaphore, #tpu.memory_space<semaphore_mem>>) attributes {dimension_semantics = [#tpu.dimension_semantics<core_parallel>, #tpu.dimension_semantics<subcore_parallel>], iteration_bounds = array<i64: 2, 16>, scalar_prefetch = 0 : i64, scratch_operands = 5 : i64, tpu.core_type = #tpu.core_type<sc_vector_subcore>, window_params = [{transform_indices = #map}, {transform_indices = #map1}, {transform_indices = #map}]} {
    %mul3A = arith.constant 2 : i32
    %mul3A_0 = arith.muli %arg1, %mul3A : i32
    %add3A = arith.addi %mul3A_0, %arg0 : i32
    %mul3A_1 = arith.constant 2560 : i32
    %mul3A_2 = arith.muli %add3A, %mul3A_1 : i32
    "tpu.region"() ({
      %run_scoped3A = tpu.sem_alloc : memref<!tpu.dma_semaphore, #tpu.memory_space<semaphore_mem>>
      %dma_start3A_31 = tpu.memref_slice %arg3[%mul3A_2] : memref<81920xi32, #tpu.memory_space<hbm>> -> memref<2560xi32, #tpu.memory_space<hbm>>
      %dma_start3A_32 = tpu.memref_slice %arg3[%mul3A_2] : memref<81920xi32, #tpu.memory_space<hbm>> -> memref<2560xi32, #tpu.memory_space<hbm>>
      tpu.enqueue_dma source(%dma_start3A_32 : memref<2560xi32, #tpu.memory_space<hbm>>) target(%arg5 : memref<2560xi32, #tpu.memory_space<vmem>>) target_semaphore(%run_scoped3A : memref<!tpu.dma_semaphore, #tpu.memory_space<semaphore_mem>>)
      %dma_wait3A_33 = tpu.memref_slice %arg3[%mul3A_2] : memref<81920xi32, #tpu.memory_space<hbm>> -> memref<2560xi32, #tpu.memory_space<hbm>>
      %dma_wait3A_34 = tpu.memref_slice %arg3[%mul3A_2] : memref<81920xi32, #tpu.memory_space<hbm>> -> memref<2560xi32, #tpu.memory_space<hbm>>
      tpu.wait_dma2 semaphore(%run_scoped3A : memref<!tpu.dma_semaphore, #tpu.memory_space<semaphore_mem>>) src(%dma_wait3A_34 : memref<2560xi32, #tpu.memory_space<hbm>>) dst(%arg5 : memref<2560xi32, #tpu.memory_space<vmem>>)
      tpu.yield
    }) : () -> ()
    %dma_start3A = arith.constant 0 : i32
    %dma_start3A_3 = tpu.memref_slice %arg5[%dma_start3A] : memref<2560xi32, #tpu.memory_space<vmem>> -> memref<256xi32, #tpu.memory_space<vmem>>
    %dma_start3A_4 = arith.constant 0 : i32
    %dma_start3A_5 = arith.constant 0 : i32
    %dma_start3A_6 = tpu.memref_slice %arg2[%dma_start3A_4, %dma_start3A_5] : memref<250000x128xf32, #tpu.memory_space<hbm>> -> memref<250000x128xf32, #tpu.memory_space<hbm>>
    tpu.enqueue_indirect_dma source(%dma_start3A_6 : memref<250000x128xf32, #tpu.memory_space<hbm>>) target(%arg6 : memref<256x128xf32, #tpu.memory_space<vmem>>) offsets(%dma_start3A_3 : memref<256xi32, #tpu.memory_space<vmem>>) semaphore(%arg8 : memref<!tpu.dma_semaphore, #tpu.memory_space<semaphore_mem>>)
    %scan3A = arith.constant 0 : i32
    %scan3A_7 = arith.constant 0 : i32
    %scan3A_8 = arith.constant 4 : i32
    %scan3A_9 = arith.addi %scan3A_7, %scan3A_8 : i32
    %scan3A_10 = arith.constant 1 : i32
    %scan3A_11 = scf.for %scan3A_31 = %scan3A_7 to %scan3A_9 step %scan3A_10 iter_args(%scan3A_32 = %scan3A) -> (i32)  : i32 {
      %mul3A_33 = arith.constant 2 : i32
      %mul3A_34 = arith.muli %scan3A_31, %mul3A_33 : i32
      %add3A_35 = arith.constant 1 : i32
      %add3A_36 = arith.addi %mul3A_34, %add3A_35 : i32
      %mul3A_37 = arith.constant 256 : i32
      %mul3A_38 = arith.muli %add3A_36, %mul3A_37 : i32
      %dma_start3A_39 = tpu.memref_slice %arg5[%mul3A_38] : memref<2560xi32, #tpu.memory_space<vmem>> -> memref<256xi32, #tpu.memory_space<vmem>>
      %dma_start3A_40 = arith.constant 0 : i32
      %dma_start3A_41 = arith.constant 0 : i32
      %dma_start3A_42 = tpu.memref_slice %arg2[%dma_start3A_40, %dma_start3A_41] : memref<250000x128xf32, #tpu.memory_space<hbm>> -> memref<250000x128xf32, #tpu.memory_space<hbm>>
      tpu.enqueue_indirect_dma source(%dma_start3A_42 : memref<250000x128xf32, #tpu.memory_space<hbm>>) target(%arg7 : memref<256x128xf32, #tpu.memory_space<vmem>>) offsets(%dma_start3A_39 : memref<256xi32, #tpu.memory_space<vmem>>) semaphore(%arg9 : memref<!tpu.dma_semaphore, #tpu.memory_space<semaphore_mem>>)
      %mul3A_43 = arith.constant 256 : i32
      %mul3A_44 = arith.muli %mul3A_34, %mul3A_43 : i32
      %dma_wait3A_45 = tpu.memref_slice %arg5[%mul3A_44] : memref<2560xi32, #tpu.memory_space<vmem>> -> memref<256xi32, #tpu.memory_space<vmem>>
      %dma_wait3A_46 = arith.constant 0 : i32
      %dma_wait3A_47 = arith.constant 0 : i32
      %dma_wait3A_48 = tpu.memref_slice %arg2[%dma_wait3A_46, %dma_wait3A_47] : memref<250000x128xf32, #tpu.memory_space<hbm>> -> memref<250000x128xf32, #tpu.memory_space<hbm>>
      tpu.wait_indirect_dma semaphore(%arg8 : memref<!tpu.dma_semaphore, #tpu.memory_space<semaphore_mem>>) src(%dma_wait3A_48 : memref<250000x128xf32, #tpu.memory_space<hbm>>) dst(%arg6 : memref<256x128xf32, #tpu.memory_space<vmem>>)
      %mul3A_49 = arith.constant 256 : i32
      %mul3A_50 = arith.muli %mul3A_34, %mul3A_49 : i32
      %add3A_51 = arith.addi %mul3A_2, %mul3A_50 : i32
      "tpu.region"() ({
        %run_scoped3A = tpu.sem_alloc : memref<!tpu.dma_semaphore, #tpu.memory_space<semaphore_mem>>
        %dma_start3A_72 = arith.constant 0 : i32
        %dma_start3A_73 = tpu.memref_slice %arg4[%add3A_51, %dma_start3A_72] : memref<81920x128xf32, #tpu.memory_space<hbm>> -> memref<256x128xf32, #tpu.memory_space<hbm>>
        %dma_start3A_74 = arith.constant 0 : i32
        %dma_start3A_75 = tpu.memref_slice %arg4[%add3A_51, %dma_start3A_74] : memref<81920x128xf32, #tpu.memory_space<hbm>> -> memref<256x128xf32, #tpu.memory_space<hbm>>
        tpu.enqueue_dma source(%arg6 : memref<256x128xf32, #tpu.memory_space<vmem>>) target(%dma_start3A_75 : memref<256x128xf32, #tpu.memory_space<hbm>>) target_semaphore(%run_scoped3A : memref<!tpu.dma_semaphore, #tpu.memory_space<semaphore_mem>>)
        %dma_wait3A_76 = arith.constant 0 : i32
        %dma_wait3A_77 = tpu.memref_slice %arg4[%add3A_51, %dma_wait3A_76] : memref<81920x128xf32, #tpu.memory_space<hbm>> -> memref<256x128xf32, #tpu.memory_space<hbm>>
        %dma_wait3A_78 = arith.constant 0 : i32
        %dma_wait3A_79 = tpu.memref_slice %arg4[%add3A_51, %dma_wait3A_78] : memref<81920x128xf32, #tpu.memory_space<hbm>> -> memref<256x128xf32, #tpu.memory_space<hbm>>
        tpu.wait_dma2 semaphore(%run_scoped3A : memref<!tpu.dma_semaphore, #tpu.memory_space<semaphore_mem>>) src(%arg6 : memref<256x128xf32, #tpu.memory_space<vmem>>) dst(%dma_wait3A_79 : memref<256x128xf32, #tpu.memory_space<hbm>>)
        tpu.yield
      }) : () -> ()
      %add3A_52 = arith.constant 2 : i32
      %add3A_53 = arith.addi %mul3A_34, %add3A_52 : i32
      %mul3A_54 = arith.constant 256 : i32
      %mul3A_55 = arith.muli %add3A_53, %mul3A_54 : i32
      %dma_start3A_56 = tpu.memref_slice %arg5[%mul3A_55] : memref<2560xi32, #tpu.memory_space<vmem>> -> memref<256xi32, #tpu.memory_space<vmem>>
      %dma_start3A_57 = arith.constant 0 : i32
      %dma_start3A_58 = arith.constant 0 : i32
      %dma_start3A_59 = tpu.memref_slice %arg2[%dma_start3A_57, %dma_start3A_58] : memref<250000x128xf32, #tpu.memory_space<hbm>> -> memref<250000x128xf32, #tpu.memory_space<hbm>>
      tpu.enqueue_indirect_dma source(%dma_start3A_59 : memref<250000x128xf32, #tpu.memory_space<hbm>>) target(%arg6 : memref<256x128xf32, #tpu.memory_space<vmem>>) offsets(%dma_start3A_56 : memref<256xi32, #tpu.memory_space<vmem>>) semaphore(%arg8 : memref<!tpu.dma_semaphore, #tpu.memory_space<semaphore_mem>>)
      %add3A_60 = arith.constant 1 : i32
      %add3A_61 = arith.addi %mul3A_34, %add3A_60 : i32
      %mul3A_62 = arith.constant 256 : i32
      %mul3A_63 = arith.muli %add3A_61, %mul3A_62 : i32
      %dma_wait3A_64 = tpu.memref_slice %arg5[%mul3A_63] : memref<2560xi32, #tpu.memory_space<vmem>> -> memref<256xi32, #tpu.memory_space<vmem>>
      %dma_wait3A_65 = arith.constant 0 : i32
      %dma_wait3A_66 = arith.constant 0 : i32
      %dma_wait3A_67 = tpu.memref_slice %arg2[%dma_wait3A_65, %dma_wait3A_66] : memref<250000x128xf32, #tpu.memory_space<hbm>> -> memref<250000x128xf32, #tpu.memory_space<hbm>>
      tpu.wait_indirect_dma semaphore(%arg9 : memref<!tpu.dma_semaphore, #tpu.memory_space<semaphore_mem>>) src(%dma_wait3A_67 : memref<250000x128xf32, #tpu.memory_space<hbm>>) dst(%arg7 : memref<256x128xf32, #tpu.memory_space<vmem>>)
      %mul3A_68 = arith.constant 256 : i32
      %mul3A_69 = arith.muli %add3A_61, %mul3A_68 : i32
      %add3A_70 = arith.addi %mul3A_2, %mul3A_69 : i32
      "tpu.region"() ({
        %run_scoped3A = tpu.sem_alloc : memref<!tpu.dma_semaphore, #tpu.memory_space<semaphore_mem>>
        %dma_start3A_72 = arith.constant 0 : i32
        %dma_start3A_73 = tpu.memref_slice %arg4[%add3A_70, %dma_start3A_72] : memref<81920x128xf32, #tpu.memory_space<hbm>> -> memref<256x128xf32, #tpu.memory_space<hbm>>
        %dma_start3A_74 = arith.constant 0 : i32
        %dma_start3A_75 = tpu.memref_slice %arg4[%add3A_70, %dma_start3A_74] : memref<81920x128xf32, #tpu.memory_space<hbm>> -> memref<256x128xf32, #tpu.memory_space<hbm>>
        tpu.enqueue_dma source(%arg7 : memref<256x128xf32, #tpu.memory_space<vmem>>) target(%dma_start3A_75 : memref<256x128xf32, #tpu.memory_space<hbm>>) target_semaphore(%run_scoped3A : memref<!tpu.dma_semaphore, #tpu.memory_space<semaphore_mem>>)
        %dma_wait3A_76 = arith.constant 0 : i32
        %dma_wait3A_77 = tpu.memref_slice %arg4[%add3A_70, %dma_wait3A_76] : memref<81920x128xf32, #tpu.memory_space<hbm>> -> memref<256x128xf32, #tpu.memory_space<hbm>>
        %dma_wait3A_78 = arith.constant 0 : i32
        %dma_wait3A_79 = tpu.memref_slice %arg4[%add3A_70, %dma_wait3A_78] : memref<81920x128xf32, #tpu.memory_space<hbm>> -> memref<256x128xf32, #tpu.memory_space<hbm>>
        tpu.wait_dma2 semaphore(%run_scoped3A : memref<!tpu.dma_semaphore, #tpu.memory_space<semaphore_mem>>) src(%arg7 : memref<256x128xf32, #tpu.memory_space<vmem>>) dst(%dma_wait3A_79 : memref<256x128xf32, #tpu.memory_space<hbm>>)
        tpu.yield
      }) : () -> ()
      %scan3A_71 = arith.constant 0 : i32
      scf.yield %scan3A_71 : i32
    }
    %scan3A_12 = arith.constant 4 : i32
    %dma_start3A_13 = arith.constant 2304 : i32
    %dma_start3A_14 = tpu.memref_slice %arg5[%dma_start3A_13] : memref<2560xi32, #tpu.memory_space<vmem>> -> memref<256xi32, #tpu.memory_space<vmem>>
    %dma_start3A_15 = arith.constant 0 : i32
    %dma_start3A_16 = arith.constant 0 : i32
    %dma_start3A_17 = tpu.memref_slice %arg2[%dma_start3A_15, %dma_start3A_16] : memref<250000x128xf32, #tpu.memory_space<hbm>> -> memref<250000x128xf32, #tpu.memory_space<hbm>>
    tpu.enqueue_indirect_dma source(%dma_start3A_17 : memref<250000x128xf32, #tpu.memory_space<hbm>>) target(%arg7 : memref<256x128xf32, #tpu.memory_space<vmem>>) offsets(%dma_start3A_14 : memref<256xi32, #tpu.memory_space<vmem>>) semaphore(%arg9 : memref<!tpu.dma_semaphore, #tpu.memory_space<semaphore_mem>>)
    %dma_wait3A = arith.constant 2048 : i32
    %dma_wait3A_18 = tpu.memref_slice %arg5[%dma_wait3A] : memref<2560xi32, #tpu.memory_space<vmem>> -> memref<256xi32, #tpu.memory_space<vmem>>
    %dma_wait3A_19 = arith.constant 0 : i32
    %dma_wait3A_20 = arith.constant 0 : i32
    %dma_wait3A_21 = tpu.memref_slice %arg2[%dma_wait3A_19, %dma_wait3A_20] : memref<250000x128xf32, #tpu.memory_space<hbm>> -> memref<250000x128xf32, #tpu.memory_space<hbm>>
    tpu.wait_indirect_dma semaphore(%arg8 : memref<!tpu.dma_semaphore, #tpu.memory_space<semaphore_mem>>) src(%dma_wait3A_21 : memref<250000x128xf32, #tpu.memory_space<hbm>>) dst(%arg6 : memref<256x128xf32, #tpu.memory_space<vmem>>)
    %add3A_22 = arith.constant 2048 : i32
    %add3A_23 = arith.addi %mul3A_2, %add3A_22 : i32
    "tpu.region"() ({
      %run_scoped3A = tpu.sem_alloc : memref<!tpu.dma_semaphore, #tpu.memory_space<semaphore_mem>>
      %dma_start3A_31 = arith.constant 0 : i32
      %dma_start3A_32 = tpu.memref_slice %arg4[%add3A_23, %dma_start3A_31] : memref<81920x128xf32, #tpu.memory_space<hbm>> -> memref<256x128xf32, #tpu.memory_space<hbm>>
      %dma_start3A_33 = arith.constant 0 : i32
      %dma_start3A_34 = tpu.memref_slice %arg4[%add3A_23, %dma_start3A_33] : memref<81920x128xf32, #tpu.memory_space<hbm>> -> memref<256x128xf32, #tpu.memory_space<hbm>>
      tpu.enqueue_dma source(%arg6 : memref<256x128xf32, #tpu.memory_space<vmem>>) target(%dma_start3A_34 : memref<256x128xf32, #tpu.memory_space<hbm>>) target_semaphore(%run_scoped3A : memref<!tpu.dma_semaphore, #tpu.memory_space<semaphore_mem>>)
      %dma_wait3A_35 = arith.constant 0 : i32
      %dma_wait3A_36 = tpu.memref_slice %arg4[%add3A_23, %dma_wait3A_35] : memref<81920x128xf32, #tpu.memory_space<hbm>> -> memref<256x128xf32, #tpu.memory_space<hbm>>
      %dma_wait3A_37 = arith.constant 0 : i32
      %dma_wait3A_38 = tpu.memref_slice %arg4[%add3A_23, %dma_wait3A_37] : memref<81920x128xf32, #tpu.memory_space<hbm>> -> memref<256x128xf32, #tpu.memory_space<hbm>>
      tpu.wait_dma2 semaphore(%run_scoped3A : memref<!tpu.dma_semaphore, #tpu.memory_space<semaphore_mem>>) src(%arg6 : memref<256x128xf32, #tpu.memory_space<vmem>>) dst(%dma_wait3A_38 : memref<256x128xf32, #tpu.memory_space<hbm>>)
      tpu.yield
    }) : () -> ()
    %dma_wait3A_24 = arith.constant 2304 : i32
    %dma_wait3A_25 = tpu.memref_slice %arg5[%dma_wait3A_24] : memref<2560xi32, #tpu.memory_space<vmem>> -> memref<256xi32, #tpu.memory_space<vmem>>
    %dma_wait3A_26 = arith.constant 0 : i32
    %dma_wait3A_27 = arith.constant 0 : i32
    %dma_wait3A_28 = tpu.memref_slice %arg2[%dma_wait3A_26, %dma_wait3A_27] : memref<250000x128xf32, #tpu.memory_space<hbm>> -> memref<250000x128xf32, #tpu.memory_space<hbm>>
    tpu.wait_indirect_dma semaphore(%arg9 : memref<!tpu.dma_semaphore, #tpu.memory_space<semaphore_mem>>) src(%dma_wait3A_28 : memref<250000x128xf32, #tpu.memory_space<hbm>>) dst(%arg7 : memref<256x128xf32, #tpu.memory_space<vmem>>)
    %add3A_29 = arith.constant 2304 : i32
    %add3A_30 = arith.addi %mul3A_2, %add3A_29 : i32
    "tpu.region"() ({
      %run_scoped3A = tpu.sem_alloc : memref<!tpu.dma_semaphore, #tpu.memory_space<semaphore_mem>>
      %dma_start3A_31 = arith.constant 0 : i32
      %dma_start3A_32 = tpu.memref_slice %arg4[%add3A_30, %dma_start3A_31] : memref<81920x128xf32, #tpu.memory_space<hbm>> -> memref<256x128xf32, #tpu.memory_space<hbm>>
      %dma_start3A_33 = arith.constant 0 : i32
      %dma_start3A_34 = tpu.memref_slice %arg4[%add3A_30, %dma_start3A_33] : memref<81920x128xf32, #tpu.memory_space<hbm>> -> memref<256x128xf32, #tpu.memory_space<hbm>>
      tpu.enqueue_dma source(%arg7 : memref<256x128xf32, #tpu.memory_space<vmem>>) target(%dma_start3A_34 : memref<256x128xf32, #tpu.memory_space<hbm>>) target_semaphore(%run_scoped3A : memref<!tpu.dma_semaphore, #tpu.memory_space<semaphore_mem>>)
      %dma_wait3A_35 = arith.constant 0 : i32
      %dma_wait3A_36 = tpu.memref_slice %arg4[%add3A_30, %dma_wait3A_35] : memref<81920x128xf32, #tpu.memory_space<hbm>> -> memref<256x128xf32, #tpu.memory_space<hbm>>
      %dma_wait3A_37 = arith.constant 0 : i32
      %dma_wait3A_38 = tpu.memref_slice %arg4[%add3A_30, %dma_wait3A_37] : memref<81920x128xf32, #tpu.memory_space<hbm>> -> memref<256x128xf32, #tpu.memory_space<hbm>>
      tpu.wait_dma2 semaphore(%run_scoped3A : memref<!tpu.dma_semaphore, #tpu.memory_space<semaphore_mem>>) src(%arg7 : memref<256x128xf32, #tpu.memory_space<vmem>>) dst(%dma_wait3A_38 : memref<256x128xf32, #tpu.memory_space<hbm>>)
      tpu.yield
    }) : () -> ()
    return
  }
}

module attributes {stable_mosaic.version = 14 : i64} {
  func.func @_topk_body(%arg0: i32, %arg1: memref<256x200xi32, #tpu.memory_space<vmem>>, %arg2: memref<256x200xi32, #tpu.memory_space<vmem>>, %arg3: memref<256x200xf32, #tpu.memory_space<vmem>>, %arg4: memref<256x20xi32, #tpu.memory_space<vmem>>) attributes {dimension_semantics = [#tpu.dimension_semantics<arbitrary>], iteration_bounds = array<i64: 16>, scalar_prefetch = 0 : i64, scratch_operands = 0 : i64, tpu.core_type = #tpu.core_type<tc>, window_params = [{transform_indices = @transform_0, window_bounds = array<i64: 256, 200>}, {transform_indices = @transform_1, window_bounds = array<i64: 256, 200>}, {transform_indices = @transform_2, window_bounds = array<i64: 256, 200>}, {transform_indices = @transform_3, window_bounds = array<i64: 256, 20>}]} {
    %get3A = arith.constant 0 : index
    %get3A_0 = arith.constant 0 : index
    %get3A_1 = vector.load %arg1[%get3A, %get3A_0] : memref<256x200xi32, #tpu.memory_space<vmem>>, vector<256x200xi32>
    %get3A_2 = arith.constant 0 : index
    %get3A_3 = arith.constant 0 : index
    %get3A_4 = vector.load %arg2[%get3A_2, %get3A_3] : memref<256x200xi32, #tpu.memory_space<vmem>>, vector<256x200xi32>
    %get3A_5 = arith.constant 0 : index
    %get3A_6 = arith.constant 0 : index
    %get3A_7 = vector.load %arg3[%get3A_5, %get3A_6] : memref<256x200xf32, #tpu.memory_space<vmem>>, vector<256x200xf32>
    %reduce_sum3A = arith.constant dense<0> : vector<256xi32>
    %reduce_sum3A_8 = vector.multi_reduction <add>, %get3A_4, %reduce_sum3A [1] : vector<256x200xi32> to vector<256xi32>
    %broadcast_in_dim3A = vector.shape_cast %reduce_sum3A_8 : vector<256xi32> to vector<256x1xi32>
    %gt3A = arith.constant 20 : i32
    %gt3A_9 = vector.broadcast %gt3A : i32 to vector<256x1xi32>
    %gt3A_10 = arith.cmpi sgt, %broadcast_in_dim3A, %gt3A_9 : vector<256x1xi32>
    %mul3A = arith.muli %get3A_1, %get3A_4 : vector<256x200xi32>
    %broadcast_in_dim3A_11 = vector.shape_cast %gt3A_10 : vector<256x1xi1> to vector<256x1xi1>
    %broadcast_in_dim3A_12 = vector.broadcast %broadcast_in_dim3A_11 : vector<256x1xi1> to vector<256x200xi1>
    %select_n3A = arith.select %broadcast_in_dim3A_12, %mul3A, %get3A_1 : vector<256x200xi1>, vector<256x200xi32>
    %convert_element_type3A = arith.sitofp %select_n3A : vector<256x200xi32> to vector<256x200xf32>
    %gt3A_13 = arith.constant 0.000000e+00 : f32
    %gt3A_14 = vector.broadcast %gt3A_13 : f32 to vector<256x200xf32>
    %gt3A_15 = arith.cmpf ogt, %convert_element_type3A, %gt3A_14 : vector<256x200xf32>
    %max3A = arith.constant 1.000000e-30 : f32
    %max3A_16 = vector.broadcast %max3A : f32 to vector<256x200xf32>
    %max3A_17 = arith.maximumf %convert_element_type3A, %max3A_16 : vector<256x200xf32>
    %log3A = math.log %max3A_17 : vector<256x200xf32>
    %jit3A = arith.constant 0xFF800000 : f32
    %broadcast_in_dim3A_18 = vector.broadcast %jit3A : f32 to vector<256x200xf32>
    %select_n3A_19 = arith.select %gt3A_15, %log3A, %broadcast_in_dim3A_18 : vector<256x200xi1>, vector<256x200xf32>
    %gt3A_20 = arith.constant 0xFF800000 : f32
    %gt3A_21 = vector.broadcast %gt3A_20 : f32 to vector<256x200xf32>
    %gt3A_22 = arith.cmpf ogt, %select_n3A_19, %gt3A_21 : vector<256x200xf32>
    %add3A = arith.addf %select_n3A_19, %get3A_7 : vector<256x200xf32>
    %jit3A_23 = arith.constant 0xFF800000 : f32
    %broadcast_in_dim3A_24 = vector.broadcast %jit3A_23 : f32 to vector<256x200xf32>
    %select_n3A_25 = arith.select %gt3A_22, %add3A, %broadcast_in_dim3A_24 : vector<256x200xi1>, vector<256x200xf32>
    %iota3A = tpu.iota {dimensions = array<i32: 1>} : vector<256x200xi32>
    %broadcast_in_dim3A_26 = arith.constant false
    %broadcast_in_dim3A_27 = vector.broadcast %broadcast_in_dim3A_26 : i1 to vector<256x200xi1>
    %reduce_max3A = arith.constant dense<0xFF800000> : vector<256xf32>
    %reduce_max3A_28 = vector.multi_reduction <maximumf>, %select_n3A_25, %reduce_max3A [1] : vector<256x200xf32> to vector<256xf32>
    %broadcast_in_dim3A_29 = vector.shape_cast %reduce_max3A_28 : vector<256xf32> to vector<256x1xf32>
    %eq3A = vector.broadcast %broadcast_in_dim3A_29 : vector<256x1xf32> to vector<256x200xf32>
    %eq3A_30 = arith.cmpf oeq, %select_n3A_25, %eq3A : vector<256x200xf32>
    %not3A = arith.constant dense<true> : vector<256x200xi1>
    %not3A_31 = arith.xori %broadcast_in_dim3A_27, %not3A : vector<256x200xi1>
    %and3A = arith.andi %eq3A_30, %not3A_31 : vector<256x200xi1>
    %jit3A_32 = arith.constant 1073741824 : i32
    %broadcast_in_dim3A_33 = vector.broadcast %jit3A_32 : i32 to vector<256x200xi32>
    %select_n3A_34 = arith.select %and3A, %iota3A, %broadcast_in_dim3A_33 : vector<256x200xi1>, vector<256x200xi32>
    %reduce_min3A = arith.constant dense<2147483647> : vector<256xi32>
    %reduce_min3A_35 = vector.multi_reduction <minsi>, %select_n3A_34, %reduce_min3A [1] : vector<256x200xi32> to vector<256xi32>
    %broadcast_in_dim3A_36 = vector.shape_cast %reduce_min3A_35 : vector<256xi32> to vector<256x1xi32>
    %eq3A_37 = vector.broadcast %broadcast_in_dim3A_36 : vector<256x1xi32> to vector<256x200xi32>
    %eq3A_38 = arith.cmpi eq, %iota3A, %eq3A_37 : vector<256x200xi32>
    %jit3A_39 = arith.constant 0 : i32
    %broadcast_in_dim3A_40 = vector.broadcast %jit3A_39 : i32 to vector<256x200xi32>
    %select_n3A_41 = arith.select %eq3A_38, %get3A_1, %broadcast_in_dim3A_40 : vector<256x200xi1>, vector<256x200xi32>
    %reduce_sum3A_42 = arith.constant dense<0> : vector<256xi32>
    %reduce_sum3A_43 = vector.multi_reduction <add>, %select_n3A_41, %reduce_sum3A_42 [1] : vector<256x200xi32> to vector<256xi32>
    %broadcast_in_dim3A_44 = vector.shape_cast %reduce_sum3A_43 : vector<256xi32> to vector<256x1xi32>
    %swap3A = arith.constant 0 : index
    %swap3A_45 = arith.constant 0 : index
    %swap3A_46 = vector.load %arg4[%swap3A, %swap3A_45] : memref<256x20xi32, #tpu.memory_space<vmem>>, vector<256x1xi32>
    tpu.vector_store %arg4[%swap3A, %swap3A_45], %broadcast_in_dim3A_44 {strides = array<i32>} : memref<256x20xi32, #tpu.memory_space<vmem>>, vector<256x1xi32>,
    %or3A = arith.ori %broadcast_in_dim3A_27, %eq3A_38 : vector<256x200xi1>
    %jit3A_47 = arith.constant 0xFF800000 : f32
    %broadcast_in_dim3A_48 = vector.broadcast %jit3A_47 : f32 to vector<256x200xf32>
    %select_n3A_49 = arith.select %eq3A_38, %broadcast_in_dim3A_48, %select_n3A_25 : vector<256x200xi1>, vector<256x200xf32>
    %reduce_max3A_50 = arith.constant dense<0xFF800000> : vector<256xf32>
    %reduce_max3A_51 = vector.multi_reduction <maximumf>, %select_n3A_49, %reduce_max3A_50 [1] : vector<256x200xf32> to vector<256xf32>
    %broadcast_in_dim3A_52 = vector.shape_cast %reduce_max3A_51 : vector<256xf32> to vector<256x1xf32>
    %eq3A_53 = vector.broadcast %broadcast_in_dim3A_52 : vector<256x1xf32> to vector<256x200xf32>
    %eq3A_54 = arith.cmpf oeq, %select_n3A_49, %eq3A_53 : vector<256x200xf32>
    %not3A_55 = arith.constant dense<true> : vector<256x200xi1>
    %not3A_56 = arith.xori %or3A, %not3A_55 : vector<256x200xi1>
    %and3A_57 = arith.andi %eq3A_54, %not3A_56 : vector<256x200xi1>
    %jit3A_58 = arith.constant 1073741824 : i32
    %broadcast_in_dim3A_59 = vector.broadcast %jit3A_58 : i32 to vector<256x200xi32>
    %select_n3A_60 = arith.select %and3A_57, %iota3A, %broadcast_in_dim3A_59 : vector<256x200xi1>, vector<256x200xi32>
    %reduce_min3A_61 = arith.constant dense<2147483647> : vector<256xi32>
    %reduce_min3A_62 = vector.multi_reduction <minsi>, %select_n3A_60, %reduce_min3A_61 [1] : vector<256x200xi32> to vector<256xi32>
    %broadcast_in_dim3A_63 = vector.shape_cast %reduce_min3A_62 : vector<256xi32> to vector<256x1xi32>
    %eq3A_64 = vector.broadcast %broadcast_in_dim3A_63 : vector<256x1xi32> to vector<256x200xi32>
    %eq3A_65 = arith.cmpi eq, %iota3A, %eq3A_64 : vector<256x200xi32>
    %jit3A_66 = arith.constant 0 : i32
    %broadcast_in_dim3A_67 = vector.broadcast %jit3A_66 : i32 to vector<256x200xi32>
    %select_n3A_68 = arith.select %eq3A_65, %get3A_1, %broadcast_in_dim3A_67 : vector<256x200xi1>, vector<256x200xi32>
    %reduce_sum3A_69 = arith.constant dense<0> : vector<256xi32>
    %reduce_sum3A_70 = vector.multi_reduction <add>, %select_n3A_68, %reduce_sum3A_69 [1] : vector<256x200xi32> to vector<256xi32>
    %broadcast_in_dim3A_71 = vector.shape_cast %reduce_sum3A_70 : vector<256xi32> to vector<256x1xi32>
    %swap3A_72 = arith.constant 0 : index
    %swap3A_73 = arith.constant 1 : index
    %swap3A_74 = vector.load %arg4[%swap3A_72, %swap3A_73] : memref<256x20xi32, #tpu.memory_space<vmem>>, vector<256x1xi32>
    tpu.vector_store %arg4[%swap3A_72, %swap3A_73], %broadcast_in_dim3A_71 {strides = array<i32>} : memref<256x20xi32, #tpu.memory_space<vmem>>, vector<256x1xi32>,
    %or3A_75 = arith.ori %or3A, %eq3A_65 : vector<256x200xi1>
    %jit3A_76 = arith.constant 0xFF800000 : f32
    %broadcast_in_dim3A_77 = vector.broadcast %jit3A_76 : f32 to vector<256x200xf32>
    %select_n3A_78 = arith.select %eq3A_65, %broadcast_in_dim3A_77, %select_n3A_49 : vector<256x200xi1>, vector<256x200xf32>
    %reduce_max3A_79 = arith.constant dense<0xFF800000> : vector<256xf32>
    %reduce_max3A_80 = vector.multi_reduction <maximumf>, %select_n3A_78, %reduce_max3A_79 [1] : vector<256x200xf32> to vector<256xf32>
    %broadcast_in_dim3A_81 = vector.shape_cast %reduce_max3A_80 : vector<256xf32> to vector<256x1xf32>
    %eq3A_82 = vector.broadcast %broadcast_in_dim3A_81 : vector<256x1xf32> to vector<256x200xf32>
    %eq3A_83 = arith.cmpf oeq, %select_n3A_78, %eq3A_82 : vector<256x200xf32>
    %not3A_84 = arith.constant dense<true> : vector<256x200xi1>
    %not3A_85 = arith.xori %or3A_75, %not3A_84 : vector<256x200xi1>
    %and3A_86 = arith.andi %eq3A_83, %not3A_85 : vector<256x200xi1>
    %jit3A_87 = arith.constant 1073741824 : i32
    %broadcast_in_dim3A_88 = vector.broadcast %jit3A_87 : i32 to vector<256x200xi32>
    %select_n3A_89 = arith.select %and3A_86, %iota3A, %broadcast_in_dim3A_88 : vector<256x200xi1>, vector<256x200xi32>
    %reduce_min3A_90 = arith.constant dense<2147483647> : vector<256xi32>
    %reduce_min3A_91 = vector.multi_reduction <minsi>, %select_n3A_89, %reduce_min3A_90 [1] : vector<256x200xi32> to vector<256xi32>
    %broadcast_in_dim3A_92 = vector.shape_cast %reduce_min3A_91 : vector<256xi32> to vector<256x1xi32>
    %eq3A_93 = vector.broadcast %broadcast_in_dim3A_92 : vector<256x1xi32> to vector<256x200xi32>
    %eq3A_94 = arith.cmpi eq, %iota3A, %eq3A_93 : vector<256x200xi32>
    %jit3A_95 = arith.constant 0 : i32
    %broadcast_in_dim3A_96 = vector.broadcast %jit3A_95 : i32 to vector<256x200xi32>
    %select_n3A_97 = arith.select %eq3A_94, %get3A_1, %broadcast_in_dim3A_96 : vector<256x200xi1>, vector<256x200xi32>
    %reduce_sum3A_98 = arith.constant dense<0> : vector<256xi32>
    %reduce_sum3A_99 = vector.multi_reduction <add>, %select_n3A_97, %reduce_sum3A_98 [1] : vector<256x200xi32> to vector<256xi32>
    %broadcast_in_dim3A_100 = vector.shape_cast %reduce_sum3A_99 : vector<256xi32> to vector<256x1xi32>
    %swap3A_101 = arith.constant 0 : index
    %swap3A_102 = arith.constant 2 : index
    %swap3A_103 = vector.load %arg4[%swap3A_101, %swap3A_102] : memref<256x20xi32, #tpu.memory_space<vmem>>, vector<256x1xi32>
    tpu.vector_store %arg4[%swap3A_101, %swap3A_102], %broadcast_in_dim3A_100 {strides = array<i32>} : memref<256x20xi32, #tpu.memory_space<vmem>>, vector<256x1xi32>,
    %or3A_104 = arith.ori %or3A_75, %eq3A_94 : vector<256x200xi1>
    %jit3A_105 = arith.constant 0xFF800000 : f32
    %broadcast_in_dim3A_106 = vector.broadcast %jit3A_105 : f32 to vector<256x200xf32>
    %select_n3A_107 = arith.select %eq3A_94, %broadcast_in_dim3A_106, %select_n3A_78 : vector<256x200xi1>, vector<256x200xf32>
    %reduce_max3A_108 = arith.constant dense<0xFF800000> : vector<256xf32>
    %reduce_max3A_109 = vector.multi_reduction <maximumf>, %select_n3A_107, %reduce_max3A_108 [1] : vector<256x200xf32> to vector<256xf32>
    %broadcast_in_dim3A_110 = vector.shape_cast %reduce_max3A_109 : vector<256xf32> to vector<256x1xf32>
    %eq3A_111 = vector.broadcast %broadcast_in_dim3A_110 : vector<256x1xf32> to vector<256x200xf32>
    %eq3A_112 = arith.cmpf oeq, %select_n3A_107, %eq3A_111 : vector<256x200xf32>
    %not3A_113 = arith.constant dense<true> : vector<256x200xi1>
    %not3A_114 = arith.xori %or3A_104, %not3A_113 : vector<256x200xi1>
    %and3A_115 = arith.andi %eq3A_112, %not3A_114 : vector<256x200xi1>
    %jit3A_116 = arith.constant 1073741824 : i32
    %broadcast_in_dim3A_117 = vector.broadcast %jit3A_116 : i32 to vector<256x200xi32>
    %select_n3A_118 = arith.select %and3A_115, %iota3A, %broadcast_in_dim3A_117 : vector<256x200xi1>, vector<256x200xi32>
    %reduce_min3A_119 = arith.constant dense<2147483647> : vector<256xi32>
    %reduce_min3A_120 = vector.multi_reduction <minsi>, %select_n3A_118, %reduce_min3A_119 [1] : vector<256x200xi32> to vector<256xi32>
    %broadcast_in_dim3A_121 = vector.shape_cast %reduce_min3A_120 : vector<256xi32> to vector<256x1xi32>
    %eq3A_122 = vector.broadcast %broadcast_in_dim3A_121 : vector<256x1xi32> to vector<256x200xi32>
    %eq3A_123 = arith.cmpi eq, %iota3A, %eq3A_122 : vector<256x200xi32>
    %jit3A_124 = arith.constant 0 : i32
    %broadcast_in_dim3A_125 = vector.broadcast %jit3A_124 : i32 to vector<256x200xi32>
    %select_n3A_126 = arith.select %eq3A_123, %get3A_1, %broadcast_in_dim3A_125 : vector<256x200xi1>, vector<256x200xi32>
    %reduce_sum3A_127 = arith.constant dense<0> : vector<256xi32>
    %reduce_sum3A_128 = vector.multi_reduction <add>, %select_n3A_126, %reduce_sum3A_127 [1] : vector<256x200xi32> to vector<256xi32>
    %broadcast_in_dim3A_129 = vector.shape_cast %reduce_sum3A_128 : vector<256xi32> to vector<256x1xi32>
    %swap3A_130 = arith.constant 0 : index
    %swap3A_131 = arith.constant 3 : index
    %swap3A_132 = vector.load %arg4[%swap3A_130, %swap3A_131] : memref<256x20xi32, #tpu.memory_space<vmem>>, vector<256x1xi32>
    tpu.vector_store %arg4[%swap3A_130, %swap3A_131], %broadcast_in_dim3A_129 {strides = array<i32>} : memref<256x20xi32, #tpu.memory_space<vmem>>, vector<256x1xi32>,
    %or3A_133 = arith.ori %or3A_104, %eq3A_123 : vector<256x200xi1>
    %jit3A_134 = arith.constant 0xFF800000 : f32
    %broadcast_in_dim3A_135 = vector.broadcast %jit3A_134 : f32 to vector<256x200xf32>
    %select_n3A_136 = arith.select %eq3A_123, %broadcast_in_dim3A_135, %select_n3A_107 : vector<256x200xi1>, vector<256x200xf32>
    %reduce_max3A_137 = arith.constant dense<0xFF800000> : vector<256xf32>
    %reduce_max3A_138 = vector.multi_reduction <maximumf>, %select_n3A_136, %reduce_max3A_137 [1] : vector<256x200xf32> to vector<256xf32>
    %broadcast_in_dim3A_139 = vector.shape_cast %reduce_max3A_138 : vector<256xf32> to vector<256x1xf32>
    %eq3A_140 = vector.broadcast %broadcast_in_dim3A_139 : vector<256x1xf32> to vector<256x200xf32>
    %eq3A_141 = arith.cmpf oeq, %select_n3A_136, %eq3A_140 : vector<256x200xf32>
    %not3A_142 = arith.constant dense<true> : vector<256x200xi1>
    %not3A_143 = arith.xori %or3A_133, %not3A_142 : vector<256x200xi1>
    %and3A_144 = arith.andi %eq3A_141, %not3A_143 : vector<256x200xi1>
    %jit3A_145 = arith.constant 1073741824 : i32
    %broadcast_in_dim3A_146 = vector.broadcast %jit3A_145 : i32 to vector<256x200xi32>
    %select_n3A_147 = arith.select %and3A_144, %iota3A, %broadcast_in_dim3A_146 : vector<256x200xi1>, vector<256x200xi32>
    %reduce_min3A_148 = arith.constant dense<2147483647> : vector<256xi32>
    %reduce_min3A_149 = vector.multi_reduction <minsi>, %select_n3A_147, %reduce_min3A_148 [1] : vector<256x200xi32> to vector<256xi32>
    %broadcast_in_dim3A_150 = vector.shape_cast %reduce_min3A_149 : vector<256xi32> to vector<256x1xi32>
    %eq3A_151 = vector.broadcast %broadcast_in_dim3A_150 : vector<256x1xi32> to vector<256x200xi32>
    %eq3A_152 = arith.cmpi eq, %iota3A, %eq3A_151 : vector<256x200xi32>
    %jit3A_153 = arith.constant 0 : i32
    %broadcast_in_dim3A_154 = vector.broadcast %jit3A_153 : i32 to vector<256x200xi32>
    %select_n3A_155 = arith.select %eq3A_152, %get3A_1, %broadcast_in_dim3A_154 : vector<256x200xi1>, vector<256x200xi32>
    %reduce_sum3A_156 = arith.constant dense<0> : vector<256xi32>
    %reduce_sum3A_157 = vector.multi_reduction <add>, %select_n3A_155, %reduce_sum3A_156 [1] : vector<256x200xi32> to vector<256xi32>
    %broadcast_in_dim3A_158 = vector.shape_cast %reduce_sum3A_157 : vector<256xi32> to vector<256x1xi32>
    %swap3A_159 = arith.constant 0 : index
    %swap3A_160 = arith.constant 4 : index
    %swap3A_161 = vector.load %arg4[%swap3A_159, %swap3A_160] : memref<256x20xi32, #tpu.memory_space<vmem>>, vector<256x1xi32>
    tpu.vector_store %arg4[%swap3A_159, %swap3A_160], %broadcast_in_dim3A_158 {strides = array<i32>} : memref<256x20xi32, #tpu.memory_space<vmem>>, vector<256x1xi32>,
    %or3A_162 = arith.ori %or3A_133, %eq3A_152 : vector<256x200xi1>
    %jit3A_163 = arith.constant 0xFF800000 : f32
    %broadcast_in_dim3A_164 = vector.broadcast %jit3A_163 : f32 to vector<256x200xf32>
    %select_n3A_165 = arith.select %eq3A_152, %broadcast_in_dim3A_164, %select_n3A_136 : vector<256x200xi1>, vector<256x200xf32>
    %reduce_max3A_166 = arith.constant dense<0xFF800000> : vector<256xf32>
    %reduce_max3A_167 = vector.multi_reduction <maximumf>, %select_n3A_165, %reduce_max3A_166 [1] : vector<256x200xf32> to vector<256xf32>
    %broadcast_in_dim3A_168 = vector.shape_cast %reduce_max3A_167 : vector<256xf32> to vector<256x1xf32>
    %eq3A_169 = vector.broadcast %broadcast_in_dim3A_168 : vector<256x1xf32> to vector<256x200xf32>
    %eq3A_170 = arith.cmpf oeq, %select_n3A_165, %eq3A_169 : vector<256x200xf32>
    %not3A_171 = arith.constant dense<true> : vector<256x200xi1>
    %not3A_172 = arith.xori %or3A_162, %not3A_171 : vector<256x200xi1>
    %and3A_173 = arith.andi %eq3A_170, %not3A_172 : vector<256x200xi1>
    %jit3A_174 = arith.constant 1073741824 : i32
    %broadcast_in_dim3A_175 = vector.broadcast %jit3A_174 : i32 to vector<256x200xi32>
    %select_n3A_176 = arith.select %and3A_173, %iota3A, %broadcast_in_dim3A_175 : vector<256x200xi1>, vector<256x200xi32>
    %reduce_min3A_177 = arith.constant dense<2147483647> : vector<256xi32>
    %reduce_min3A_178 = vector.multi_reduction <minsi>, %select_n3A_176, %reduce_min3A_177 [1] : vector<256x200xi32> to vector<256xi32>
    %broadcast_in_dim3A_179 = vector.shape_cast %reduce_min3A_178 : vector<256xi32> to vector<256x1xi32>
    %eq3A_180 = vector.broadcast %broadcast_in_dim3A_179 : vector<256x1xi32> to vector<256x200xi32>
    %eq3A_181 = arith.cmpi eq, %iota3A, %eq3A_180 : vector<256x200xi32>
    %jit3A_182 = arith.constant 0 : i32
    %broadcast_in_dim3A_183 = vector.broadcast %jit3A_182 : i32 to vector<256x200xi32>
    %select_n3A_184 = arith.select %eq3A_181, %get3A_1, %broadcast_in_dim3A_183 : vector<256x200xi1>, vector<256x200xi32>
    %reduce_sum3A_185 = arith.constant dense<0> : vector<256xi32>
    %reduce_sum3A_186 = vector.multi_reduction <add>, %select_n3A_184, %reduce_sum3A_185 [1] : vector<256x200xi32> to vector<256xi32>
    %broadcast_in_dim3A_187 = vector.shape_cast %reduce_sum3A_186 : vector<256xi32> to vector<256x1xi32>
    %swap3A_188 = arith.constant 0 : index
    %swap3A_189 = arith.constant 5 : index
    %swap3A_190 = vector.load %arg4[%swap3A_188, %swap3A_189] : memref<256x20xi32, #tpu.memory_space<vmem>>, vector<256x1xi32>
    tpu.vector_store %arg4[%swap3A_188, %swap3A_189], %broadcast_in_dim3A_187 {strides = array<i32>} : memref<256x20xi32, #tpu.memory_space<vmem>>, vector<256x1xi32>,
    %or3A_191 = arith.ori %or3A_162, %eq3A_181 : vector<256x200xi1>
    %jit3A_192 = arith.constant 0xFF800000 : f32
    %broadcast_in_dim3A_193 = vector.broadcast %jit3A_192 : f32 to vector<256x200xf32>
    %select_n3A_194 = arith.select %eq3A_181, %broadcast_in_dim3A_193, %select_n3A_165 : vector<256x200xi1>, vector<256x200xf32>
    %reduce_max3A_195 = arith.constant dense<0xFF800000> : vector<256xf32>
    %reduce_max3A_196 = vector.multi_reduction <maximumf>, %select_n3A_194, %reduce_max3A_195 [1] : vector<256x200xf32> to vector<256xf32>
    %broadcast_in_dim3A_197 = vector.shape_cast %reduce_max3A_196 : vector<256xf32> to vector<256x1xf32>
    %eq3A_198 = vector.broadcast %broadcast_in_dim3A_197 : vector<256x1xf32> to vector<256x200xf32>
    %eq3A_199 = arith.cmpf oeq, %select_n3A_194, %eq3A_198 : vector<256x200xf32>
    %not3A_200 = arith.constant dense<true> : vector<256x200xi1>
    %not3A_201 = arith.xori %or3A_191, %not3A_200 : vector<256x200xi1>
    %and3A_202 = arith.andi %eq3A_199, %not3A_201 : vector<256x200xi1>
    %jit3A_203 = arith.constant 1073741824 : i32
    %broadcast_in_dim3A_204 = vector.broadcast %jit3A_203 : i32 to vector<256x200xi32>
    %select_n3A_205 = arith.select %and3A_202, %iota3A, %broadcast_in_dim3A_204 : vector<256x200xi1>, vector<256x200xi32>
    %reduce_min3A_206 = arith.constant dense<2147483647> : vector<256xi32>
    %reduce_min3A_207 = vector.multi_reduction <minsi>, %select_n3A_205, %reduce_min3A_206 [1] : vector<256x200xi32> to vector<256xi32>
    %broadcast_in_dim3A_208 = vector.shape_cast %reduce_min3A_207 : vector<256xi32> to vector<256x1xi32>
    %eq3A_209 = vector.broadcast %broadcast_in_dim3A_208 : vector<256x1xi32> to vector<256x200xi32>
    %eq3A_210 = arith.cmpi eq, %iota3A, %eq3A_209 : vector<256x200xi32>
    %jit3A_211 = arith.constant 0 : i32
    %broadcast_in_dim3A_212 = vector.broadcast %jit3A_211 : i32 to vector<256x200xi32>
    %select_n3A_213 = arith.select %eq3A_210, %get3A_1, %broadcast_in_dim3A_212 : vector<256x200xi1>, vector<256x200xi32>
    %reduce_sum3A_214 = arith.constant dense<0> : vector<256xi32>
    %reduce_sum3A_215 = vector.multi_reduction <add>, %select_n3A_213, %reduce_sum3A_214 [1] : vector<256x200xi32> to vector<256xi32>
    %broadcast_in_dim3A_216 = vector.shape_cast %reduce_sum3A_215 : vector<256xi32> to vector<256x1xi32>
    %swap3A_217 = arith.constant 0 : index
    %swap3A_218 = arith.constant 6 : index
    %swap3A_219 = vector.load %arg4[%swap3A_217, %swap3A_218] : memref<256x20xi32, #tpu.memory_space<vmem>>, vector<256x1xi32>
    tpu.vector_store %arg4[%swap3A_217, %swap3A_218], %broadcast_in_dim3A_216 {strides = array<i32>} : memref<256x20xi32, #tpu.memory_space<vmem>>, vector<256x1xi32>,
    %or3A_220 = arith.ori %or3A_191, %eq3A_210 : vector<256x200xi1>
    %jit3A_221 = arith.constant 0xFF800000 : f32
    %broadcast_in_dim3A_222 = vector.broadcast %jit3A_221 : f32 to vector<256x200xf32>
    %select_n3A_223 = arith.select %eq3A_210, %broadcast_in_dim3A_222, %select_n3A_194 : vector<256x200xi1>, vector<256x200xf32>
    %reduce_max3A_224 = arith.constant dense<0xFF800000> : vector<256xf32>
    %reduce_max3A_225 = vector.multi_reduction <maximumf>, %select_n3A_223, %reduce_max3A_224 [1] : vector<256x200xf32> to vector<256xf32>
    %broadcast_in_dim3A_226 = vector.shape_cast %reduce_max3A_225 : vector<256xf32> to vector<256x1xf32>
    %eq3A_227 = vector.broadcast %broadcast_in_dim3A_226 : vector<256x1xf32> to vector<256x200xf32>
    %eq3A_228 = arith.cmpf oeq, %select_n3A_223, %eq3A_227 : vector<256x200xf32>
    %not3A_229 = arith.constant dense<true> : vector<256x200xi1>
    %not3A_230 = arith.xori %or3A_220, %not3A_229 : vector<256x200xi1>
    %and3A_231 = arith.andi %eq3A_228, %not3A_230 : vector<256x200xi1>
    %jit3A_232 = arith.constant 1073741824 : i32
    %broadcast_in_dim3A_233 = vector.broadcast %jit3A_232 : i32 to vector<256x200xi32>
    %select_n3A_234 = arith.select %and3A_231, %iota3A, %broadcast_in_dim3A_233 : vector<256x200xi1>, vector<256x200xi32>
    %reduce_min3A_235 = arith.constant dense<2147483647> : vector<256xi32>
    %reduce_min3A_236 = vector.multi_reduction <minsi>, %select_n3A_234, %reduce_min3A_235 [1] : vector<256x200xi32> to vector<256xi32>
    %broadcast_in_dim3A_237 = vector.shape_cast %reduce_min3A_236 : vector<256xi32> to vector<256x1xi32>
    %eq3A_238 = vector.broadcast %broadcast_in_dim3A_237 : vector<256x1xi32> to vector<256x200xi32>
    %eq3A_239 = arith.cmpi eq, %iota3A, %eq3A_238 : vector<256x200xi32>
    %jit3A_240 = arith.constant 0 : i32
    %broadcast_in_dim3A_241 = vector.broadcast %jit3A_240 : i32 to vector<256x200xi32>
    %select_n3A_242 = arith.select %eq3A_239, %get3A_1, %broadcast_in_dim3A_241 : vector<256x200xi1>, vector<256x200xi32>
    %reduce_sum3A_243 = arith.constant dense<0> : vector<256xi32>
    %reduce_sum3A_244 = vector.multi_reduction <add>, %select_n3A_242, %reduce_sum3A_243 [1] : vector<256x200xi32> to vector<256xi32>
    %broadcast_in_dim3A_245 = vector.shape_cast %reduce_sum3A_244 : vector<256xi32> to vector<256x1xi32>
    %swap3A_246 = arith.constant 0 : index
    %swap3A_247 = arith.constant 7 : index
    %swap3A_248 = vector.load %arg4[%swap3A_246, %swap3A_247] : memref<256x20xi32, #tpu.memory_space<vmem>>, vector<256x1xi32>
    tpu.vector_store %arg4[%swap3A_246, %swap3A_247], %broadcast_in_dim3A_245 {strides = array<i32>} : memref<256x20xi32, #tpu.memory_space<vmem>>, vector<256x1xi32>,
    %or3A_249 = arith.ori %or3A_220, %eq3A_239 : vector<256x200xi1>
    %jit3A_250 = arith.constant 0xFF800000 : f32
    %broadcast_in_dim3A_251 = vector.broadcast %jit3A_250 : f32 to vector<256x200xf32>
    %select_n3A_252 = arith.select %eq3A_239, %broadcast_in_dim3A_251, %select_n3A_223 : vector<256x200xi1>, vector<256x200xf32>
    %reduce_max3A_253 = arith.constant dense<0xFF800000> : vector<256xf32>
    %reduce_max3A_254 = vector.multi_reduction <maximumf>, %select_n3A_252, %reduce_max3A_253 [1] : vector<256x200xf32> to vector<256xf32>
    %broadcast_in_dim3A_255 = vector.shape_cast %reduce_max3A_254 : vector<256xf32> to vector<256x1xf32>
    %eq3A_256 = vector.broadcast %broadcast_in_dim3A_255 : vector<256x1xf32> to vector<256x200xf32>
    %eq3A_257 = arith.cmpf oeq, %select_n3A_252, %eq3A_256 : vector<256x200xf32>
    %not3A_258 = arith.constant dense<true> : vector<256x200xi1>
    %not3A_259 = arith.xori %or3A_249, %not3A_258 : vector<256x200xi1>
    %and3A_260 = arith.andi %eq3A_257, %not3A_259 : vector<256x200xi1>
    %jit3A_261 = arith.constant 1073741824 : i32
    %broadcast_in_dim3A_262 = vector.broadcast %jit3A_261 : i32 to vector<256x200xi32>
    %select_n3A_263 = arith.select %and3A_260, %iota3A, %broadcast_in_dim3A_262 : vector<256x200xi1>, vector<256x200xi32>
    %reduce_min3A_264 = arith.constant dense<2147483647> : vector<256xi32>
    %reduce_min3A_265 = vector.multi_reduction <minsi>, %select_n3A_263, %reduce_min3A_264 [1] : vector<256x200xi32> to vector<256xi32>
    %broadcast_in_dim3A_266 = vector.shape_cast %reduce_min3A_265 : vector<256xi32> to vector<256x1xi32>
    %eq3A_267 = vector.broadcast %broadcast_in_dim3A_266 : vector<256x1xi32> to vector<256x200xi32>
    %eq3A_268 = arith.cmpi eq, %iota3A, %eq3A_267 : vector<256x200xi32>
    %jit3A_269 = arith.constant 0 : i32
    %broadcast_in_dim3A_270 = vector.broadcast %jit3A_269 : i32 to vector<256x200xi32>
    %select_n3A_271 = arith.select %eq3A_268, %get3A_1, %broadcast_in_dim3A_270 : vector<256x200xi1>, vector<256x200xi32>
    %reduce_sum3A_272 = arith.constant dense<0> : vector<256xi32>
    %reduce_sum3A_273 = vector.multi_reduction <add>, %select_n3A_271, %reduce_sum3A_272 [1] : vector<256x200xi32> to vector<256xi32>
    %broadcast_in_dim3A_274 = vector.shape_cast %reduce_sum3A_273 : vector<256xi32> to vector<256x1xi32>
    %swap3A_275 = arith.constant 0 : index
    %swap3A_276 = arith.constant 8 : index
    %swap3A_277 = vector.load %arg4[%swap3A_275, %swap3A_276] : memref<256x20xi32, #tpu.memory_space<vmem>>, vector<256x1xi32>
    tpu.vector_store %arg4[%swap3A_275, %swap3A_276], %broadcast_in_dim3A_274 {strides = array<i32>} : memref<256x20xi32, #tpu.memory_space<vmem>>, vector<256x1xi32>,
    %or3A_278 = arith.ori %or3A_249, %eq3A_268 : vector<256x200xi1>
    %jit3A_279 = arith.constant 0xFF800000 : f32
    %broadcast_in_dim3A_280 = vector.broadcast %jit3A_279 : f32 to vector<256x200xf32>
    %select_n3A_281 = arith.select %eq3A_268, %broadcast_in_dim3A_280, %select_n3A_252 : vector<256x200xi1>, vector<256x200xf32>
    %reduce_max3A_282 = arith.constant dense<0xFF800000> : vector<256xf32>
    %reduce_max3A_283 = vector.multi_reduction <maximumf>, %select_n3A_281, %reduce_max3A_282 [1] : vector<256x200xf32> to vector<256xf32>
    %broadcast_in_dim3A_284 = vector.shape_cast %reduce_max3A_283 : vector<256xf32> to vector<256x1xf32>
    %eq3A_285 = vector.broadcast %broadcast_in_dim3A_284 : vector<256x1xf32> to vector<256x200xf32>
    %eq3A_286 = arith.cmpf oeq, %select_n3A_281, %eq3A_285 : vector<256x200xf32>
    %not3A_287 = arith.constant dense<true> : vector<256x200xi1>
    %not3A_288 = arith.xori %or3A_278, %not3A_287 : vector<256x200xi1>
    %and3A_289 = arith.andi %eq3A_286, %not3A_288 : vector<256x200xi1>
    %jit3A_290 = arith.constant 1073741824 : i32
    %broadcast_in_dim3A_291 = vector.broadcast %jit3A_290 : i32 to vector<256x200xi32>
    %select_n3A_292 = arith.select %and3A_289, %iota3A, %broadcast_in_dim3A_291 : vector<256x200xi1>, vector<256x200xi32>
    %reduce_min3A_293 = arith.constant dense<2147483647> : vector<256xi32>
    %reduce_min3A_294 = vector.multi_reduction <minsi>, %select_n3A_292, %reduce_min3A_293 [1] : vector<256x200xi32> to vector<256xi32>
    %broadcast_in_dim3A_295 = vector.shape_cast %reduce_min3A_294 : vector<256xi32> to vector<256x1xi32>
    %eq3A_296 = vector.broadcast %broadcast_in_dim3A_295 : vector<256x1xi32> to vector<256x200xi32>
    %eq3A_297 = arith.cmpi eq, %iota3A, %eq3A_296 : vector<256x200xi32>
    %jit3A_298 = arith.constant 0 : i32
    %broadcast_in_dim3A_299 = vector.broadcast %jit3A_298 : i32 to vector<256x200xi32>
    %select_n3A_300 = arith.select %eq3A_297, %get3A_1, %broadcast_in_dim3A_299 : vector<256x200xi1>, vector<256x200xi32>
    %reduce_sum3A_301 = arith.constant dense<0> : vector<256xi32>
    %reduce_sum3A_302 = vector.multi_reduction <add>, %select_n3A_300, %reduce_sum3A_301 [1] : vector<256x200xi32> to vector<256xi32>
    %broadcast_in_dim3A_303 = vector.shape_cast %reduce_sum3A_302 : vector<256xi32> to vector<256x1xi32>
    %swap3A_304 = arith.constant 0 : index
    %swap3A_305 = arith.constant 9 : index
    %swap3A_306 = vector.load %arg4[%swap3A_304, %swap3A_305] : memref<256x20xi32, #tpu.memory_space<vmem>>, vector<256x1xi32>
    tpu.vector_store %arg4[%swap3A_304, %swap3A_305], %broadcast_in_dim3A_303 {strides = array<i32>} : memref<256x20xi32, #tpu.memory_space<vmem>>, vector<256x1xi32>,
    %or3A_307 = arith.ori %or3A_278, %eq3A_297 : vector<256x200xi1>
    %jit3A_308 = arith.constant 0xFF800000 : f32
    %broadcast_in_dim3A_309 = vector.broadcast %jit3A_308 : f32 to vector<256x200xf32>
    %select_n3A_310 = arith.select %eq3A_297, %broadcast_in_dim3A_309, %select_n3A_281 : vector<256x200xi1>, vector<256x200xf32>
    %reduce_max3A_311 = arith.constant dense<0xFF800000> : vector<256xf32>
    %reduce_max3A_312 = vector.multi_reduction <maximumf>, %select_n3A_310, %reduce_max3A_311 [1] : vector<256x200xf32> to vector<256xf32>
    %broadcast_in_dim3A_313 = vector.shape_cast %reduce_max3A_312 : vector<256xf32> to vector<256x1xf32>
    %eq3A_314 = vector.broadcast %broadcast_in_dim3A_313 : vector<256x1xf32> to vector<256x200xf32>
    %eq3A_315 = arith.cmpf oeq, %select_n3A_310, %eq3A_314 : vector<256x200xf32>
    %not3A_316 = arith.constant dense<true> : vector<256x200xi1>
    %not3A_317 = arith.xori %or3A_307, %not3A_316 : vector<256x200xi1>
    %and3A_318 = arith.andi %eq3A_315, %not3A_317 : vector<256x200xi1>
    %jit3A_319 = arith.constant 1073741824 : i32
    %broadcast_in_dim3A_320 = vector.broadcast %jit3A_319 : i32 to vector<256x200xi32>
    %select_n3A_321 = arith.select %and3A_318, %iota3A, %broadcast_in_dim3A_320 : vector<256x200xi1>, vector<256x200xi32>
    %reduce_min3A_322 = arith.constant dense<2147483647> : vector<256xi32>
    %reduce_min3A_323 = vector.multi_reduction <minsi>, %select_n3A_321, %reduce_min3A_322 [1] : vector<256x200xi32> to vector<256xi32>
    %broadcast_in_dim3A_324 = vector.shape_cast %reduce_min3A_323 : vector<256xi32> to vector<256x1xi32>
    %eq3A_325 = vector.broadcast %broadcast_in_dim3A_324 : vector<256x1xi32> to vector<256x200xi32>
    %eq3A_326 = arith.cmpi eq, %iota3A, %eq3A_325 : vector<256x200xi32>
    %jit3A_327 = arith.constant 0 : i32
    %broadcast_in_dim3A_328 = vector.broadcast %jit3A_327 : i32 to vector<256x200xi32>
    %select_n3A_329 = arith.select %eq3A_326, %get3A_1, %broadcast_in_dim3A_328 : vector<256x200xi1>, vector<256x200xi32>
    %reduce_sum3A_330 = arith.constant dense<0> : vector<256xi32>
    %reduce_sum3A_331 = vector.multi_reduction <add>, %select_n3A_329, %reduce_sum3A_330 [1] : vector<256x200xi32> to vector<256xi32>
    %broadcast_in_dim3A_332 = vector.shape_cast %reduce_sum3A_331 : vector<256xi32> to vector<256x1xi32>
    %swap3A_333 = arith.constant 0 : index
    %swap3A_334 = arith.constant 10 : index
    %swap3A_335 = vector.load %arg4[%swap3A_333, %swap3A_334] : memref<256x20xi32, #tpu.memory_space<vmem>>, vector<256x1xi32>
    tpu.vector_store %arg4[%swap3A_333, %swap3A_334], %broadcast_in_dim3A_332 {strides = array<i32>} : memref<256x20xi32, #tpu.memory_space<vmem>>, vector<256x1xi32>,
    %or3A_336 = arith.ori %or3A_307, %eq3A_326 : vector<256x200xi1>
    %jit3A_337 = arith.constant 0xFF800000 : f32
    %broadcast_in_dim3A_338 = vector.broadcast %jit3A_337 : f32 to vector<256x200xf32>
    %select_n3A_339 = arith.select %eq3A_326, %broadcast_in_dim3A_338, %select_n3A_310 : vector<256x200xi1>, vector<256x200xf32>
    %reduce_max3A_340 = arith.constant dense<0xFF800000> : vector<256xf32>
    %reduce_max3A_341 = vector.multi_reduction <maximumf>, %select_n3A_339, %reduce_max3A_340 [1] : vector<256x200xf32> to vector<256xf32>
    %broadcast_in_dim3A_342 = vector.shape_cast %reduce_max3A_341 : vector<256xf32> to vector<256x1xf32>
    %eq3A_343 = vector.broadcast %broadcast_in_dim3A_342 : vector<256x1xf32> to vector<256x200xf32>
    %eq3A_344 = arith.cmpf oeq, %select_n3A_339, %eq3A_343 : vector<256x200xf32>
    %not3A_345 = arith.constant dense<true> : vector<256x200xi1>
    %not3A_346 = arith.xori %or3A_336, %not3A_345 : vector<256x200xi1>
    %and3A_347 = arith.andi %eq3A_344, %not3A_346 : vector<256x200xi1>
    %jit3A_348 = arith.constant 1073741824 : i32
    %broadcast_in_dim3A_349 = vector.broadcast %jit3A_348 : i32 to vector<256x200xi32>
    %select_n3A_350 = arith.select %and3A_347, %iota3A, %broadcast_in_dim3A_349 : vector<256x200xi1>, vector<256x200xi32>
    %reduce_min3A_351 = arith.constant dense<2147483647> : vector<256xi32>
    %reduce_min3A_352 = vector.multi_reduction <minsi>, %select_n3A_350, %reduce_min3A_351 [1] : vector<256x200xi32> to vector<256xi32>
    %broadcast_in_dim3A_353 = vector.shape_cast %reduce_min3A_352 : vector<256xi32> to vector<256x1xi32>
    %eq3A_354 = vector.broadcast %broadcast_in_dim3A_353 : vector<256x1xi32> to vector<256x200xi32>
    %eq3A_355 = arith.cmpi eq, %iota3A, %eq3A_354 : vector<256x200xi32>
    %jit3A_356 = arith.constant 0 : i32
    %broadcast_in_dim3A_357 = vector.broadcast %jit3A_356 : i32 to vector<256x200xi32>
    %select_n3A_358 = arith.select %eq3A_355, %get3A_1, %broadcast_in_dim3A_357 : vector<256x200xi1>, vector<256x200xi32>
    %reduce_sum3A_359 = arith.constant dense<0> : vector<256xi32>
    %reduce_sum3A_360 = vector.multi_reduction <add>, %select_n3A_358, %reduce_sum3A_359 [1] : vector<256x200xi32> to vector<256xi32>
    %broadcast_in_dim3A_361 = vector.shape_cast %reduce_sum3A_360 : vector<256xi32> to vector<256x1xi32>
    %swap3A_362 = arith.constant 0 : index
    %swap3A_363 = arith.constant 11 : index
    %swap3A_364 = vector.load %arg4[%swap3A_362, %swap3A_363] : memref<256x20xi32, #tpu.memory_space<vmem>>, vector<256x1xi32>
    tpu.vector_store %arg4[%swap3A_362, %swap3A_363], %broadcast_in_dim3A_361 {strides = array<i32>} : memref<256x20xi32, #tpu.memory_space<vmem>>, vector<256x1xi32>,
    %or3A_365 = arith.ori %or3A_336, %eq3A_355 : vector<256x200xi1>
    %jit3A_366 = arith.constant 0xFF800000 : f32
    %broadcast_in_dim3A_367 = vector.broadcast %jit3A_366 : f32 to vector<256x200xf32>
    %select_n3A_368 = arith.select %eq3A_355, %broadcast_in_dim3A_367, %select_n3A_339 : vector<256x200xi1>, vector<256x200xf32>
    %reduce_max3A_369 = arith.constant dense<0xFF800000> : vector<256xf32>
    %reduce_max3A_370 = vector.multi_reduction <maximumf>, %select_n3A_368, %reduce_max3A_369 [1] : vector<256x200xf32> to vector<256xf32>
    %broadcast_in_dim3A_371 = vector.shape_cast %reduce_max3A_370 : vector<256xf32> to vector<256x1xf32>
    %eq3A_372 = vector.broadcast %broadcast_in_dim3A_371 : vector<256x1xf32> to vector<256x200xf32>
    %eq3A_373 = arith.cmpf oeq, %select_n3A_368, %eq3A_372 : vector<256x200xf32>
    %not3A_374 = arith.constant dense<true> : vector<256x200xi1>
    %not3A_375 = arith.xori %or3A_365, %not3A_374 : vector<256x200xi1>
    %and3A_376 = arith.andi %eq3A_373, %not3A_375 : vector<256x200xi1>
    %jit3A_377 = arith.constant 1073741824 : i32
    %broadcast_in_dim3A_378 = vector.broadcast %jit3A_377 : i32 to vector<256x200xi32>
    %select_n3A_379 = arith.select %and3A_376, %iota3A, %broadcast_in_dim3A_378 : vector<256x200xi1>, vector<256x200xi32>
    %reduce_min3A_380 = arith.constant dense<2147483647> : vector<256xi32>
    %reduce_min3A_381 = vector.multi_reduction <minsi>, %select_n3A_379, %reduce_min3A_380 [1] : vector<256x200xi32> to vector<256xi32>
    %broadcast_in_dim3A_382 = vector.shape_cast %reduce_min3A_381 : vector<256xi32> to vector<256x1xi32>
    %eq3A_383 = vector.broadcast %broadcast_in_dim3A_382 : vector<256x1xi32> to vector<256x200xi32>
    %eq3A_384 = arith.cmpi eq, %iota3A, %eq3A_383 : vector<256x200xi32>
    %jit3A_385 = arith.constant 0 : i32
    %broadcast_in_dim3A_386 = vector.broadcast %jit3A_385 : i32 to vector<256x200xi32>
    %select_n3A_387 = arith.select %eq3A_384, %get3A_1, %broadcast_in_dim3A_386 : vector<256x200xi1>, vector<256x200xi32>
    %reduce_sum3A_388 = arith.constant dense<0> : vector<256xi32>
    %reduce_sum3A_389 = vector.multi_reduction <add>, %select_n3A_387, %reduce_sum3A_388 [1] : vector<256x200xi32> to vector<256xi32>
    %broadcast_in_dim3A_390 = vector.shape_cast %reduce_sum3A_389 : vector<256xi32> to vector<256x1xi32>
    %swap3A_391 = arith.constant 0 : index
    %swap3A_392 = arith.constant 12 : index
    %swap3A_393 = vector.load %arg4[%swap3A_391, %swap3A_392] : memref<256x20xi32, #tpu.memory_space<vmem>>, vector<256x1xi32>
    tpu.vector_store %arg4[%swap3A_391, %swap3A_392], %broadcast_in_dim3A_390 {strides = array<i32>} : memref<256x20xi32, #tpu.memory_space<vmem>>, vector<256x1xi32>,
    %or3A_394 = arith.ori %or3A_365, %eq3A_384 : vector<256x200xi1>
    %jit3A_395 = arith.constant 0xFF800000 : f32
    %broadcast_in_dim3A_396 = vector.broadcast %jit3A_395 : f32 to vector<256x200xf32>
    %select_n3A_397 = arith.select %eq3A_384, %broadcast_in_dim3A_396, %select_n3A_368 : vector<256x200xi1>, vector<256x200xf32>
    %reduce_max3A_398 = arith.constant dense<0xFF800000> : vector<256xf32>
    %reduce_max3A_399 = vector.multi_reduction <maximumf>, %select_n3A_397, %reduce_max3A_398 [1] : vector<256x200xf32> to vector<256xf32>
    %broadcast_in_dim3A_400 = vector.shape_cast %reduce_max3A_399 : vector<256xf32> to vector<256x1xf32>
    %eq3A_401 = vector.broadcast %broadcast_in_dim3A_400 : vector<256x1xf32> to vector<256x200xf32>
    %eq3A_402 = arith.cmpf oeq, %select_n3A_397, %eq3A_401 : vector<256x200xf32>
    %not3A_403 = arith.constant dense<true> : vector<256x200xi1>
    %not3A_404 = arith.xori %or3A_394, %not3A_403 : vector<256x200xi1>
    %and3A_405 = arith.andi %eq3A_402, %not3A_404 : vector<256x200xi1>
    %jit3A_406 = arith.constant 1073741824 : i32
    %broadcast_in_dim3A_407 = vector.broadcast %jit3A_406 : i32 to vector<256x200xi32>
    %select_n3A_408 = arith.select %and3A_405, %iota3A, %broadcast_in_dim3A_407 : vector<256x200xi1>, vector<256x200xi32>
    %reduce_min3A_409 = arith.constant dense<2147483647> : vector<256xi32>
    %reduce_min3A_410 = vector.multi_reduction <minsi>, %select_n3A_408, %reduce_min3A_409 [1] : vector<256x200xi32> to vector<256xi32>
    %broadcast_in_dim3A_411 = vector.shape_cast %reduce_min3A_410 : vector<256xi32> to vector<256x1xi32>
    %eq3A_412 = vector.broadcast %broadcast_in_dim3A_411 : vector<256x1xi32> to vector<256x200xi32>
    %eq3A_413 = arith.cmpi eq, %iota3A, %eq3A_412 : vector<256x200xi32>
    %jit3A_414 = arith.constant 0 : i32
    %broadcast_in_dim3A_415 = vector.broadcast %jit3A_414 : i32 to vector<256x200xi32>
    %select_n3A_416 = arith.select %eq3A_413, %get3A_1, %broadcast_in_dim3A_415 : vector<256x200xi1>, vector<256x200xi32>
    %reduce_sum3A_417 = arith.constant dense<0> : vector<256xi32>
    %reduce_sum3A_418 = vector.multi_reduction <add>, %select_n3A_416, %reduce_sum3A_417 [1] : vector<256x200xi32> to vector<256xi32>
    %broadcast_in_dim3A_419 = vector.shape_cast %reduce_sum3A_418 : vector<256xi32> to vector<256x1xi32>
    %swap3A_420 = arith.constant 0 : index
    %swap3A_421 = arith.constant 13 : index
    %swap3A_422 = vector.load %arg4[%swap3A_420, %swap3A_421] : memref<256x20xi32, #tpu.memory_space<vmem>>, vector<256x1xi32>
    tpu.vector_store %arg4[%swap3A_420, %swap3A_421], %broadcast_in_dim3A_419 {strides = array<i32>} : memref<256x20xi32, #tpu.memory_space<vmem>>, vector<256x1xi32>,
    %or3A_423 = arith.ori %or3A_394, %eq3A_413 : vector<256x200xi1>
    %jit3A_424 = arith.constant 0xFF800000 : f32
    %broadcast_in_dim3A_425 = vector.broadcast %jit3A_424 : f32 to vector<256x200xf32>
    %select_n3A_426 = arith.select %eq3A_413, %broadcast_in_dim3A_425, %select_n3A_397 : vector<256x200xi1>, vector<256x200xf32>
    %reduce_max3A_427 = arith.constant dense<0xFF800000> : vector<256xf32>
    %reduce_max3A_428 = vector.multi_reduction <maximumf>, %select_n3A_426, %reduce_max3A_427 [1] : vector<256x200xf32> to vector<256xf32>
    %broadcast_in_dim3A_429 = vector.shape_cast %reduce_max3A_428 : vector<256xf32> to vector<256x1xf32>
    %eq3A_430 = vector.broadcast %broadcast_in_dim3A_429 : vector<256x1xf32> to vector<256x200xf32>
    %eq3A_431 = arith.cmpf oeq, %select_n3A_426, %eq3A_430 : vector<256x200xf32>
    %not3A_432 = arith.constant dense<true> : vector<256x200xi1>
    %not3A_433 = arith.xori %or3A_423, %not3A_432 : vector<256x200xi1>
    %and3A_434 = arith.andi %eq3A_431, %not3A_433 : vector<256x200xi1>
    %jit3A_435 = arith.constant 1073741824 : i32
    %broadcast_in_dim3A_436 = vector.broadcast %jit3A_435 : i32 to vector<256x200xi32>
    %select_n3A_437 = arith.select %and3A_434, %iota3A, %broadcast_in_dim3A_436 : vector<256x200xi1>, vector<256x200xi32>
    %reduce_min3A_438 = arith.constant dense<2147483647> : vector<256xi32>
    %reduce_min3A_439 = vector.multi_reduction <minsi>, %select_n3A_437, %reduce_min3A_438 [1] : vector<256x200xi32> to vector<256xi32>
    %broadcast_in_dim3A_440 = vector.shape_cast %reduce_min3A_439 : vector<256xi32> to vector<256x1xi32>
    %eq3A_441 = vector.broadcast %broadcast_in_dim3A_440 : vector<256x1xi32> to vector<256x200xi32>
    %eq3A_442 = arith.cmpi eq, %iota3A, %eq3A_441 : vector<256x200xi32>
    %jit3A_443 = arith.constant 0 : i32
    %broadcast_in_dim3A_444 = vector.broadcast %jit3A_443 : i32 to vector<256x200xi32>
    %select_n3A_445 = arith.select %eq3A_442, %get3A_1, %broadcast_in_dim3A_444 : vector<256x200xi1>, vector<256x200xi32>
    %reduce_sum3A_446 = arith.constant dense<0> : vector<256xi32>
    %reduce_sum3A_447 = vector.multi_reduction <add>, %select_n3A_445, %reduce_sum3A_446 [1] : vector<256x200xi32> to vector<256xi32>
    %broadcast_in_dim3A_448 = vector.shape_cast %reduce_sum3A_447 : vector<256xi32> to vector<256x1xi32>
    %swap3A_449 = arith.constant 0 : index
    %swap3A_450 = arith.constant 14 : index
    %swap3A_451 = vector.load %arg4[%swap3A_449, %swap3A_450] : memref<256x20xi32, #tpu.memory_space<vmem>>, vector<256x1xi32>
    tpu.vector_store %arg4[%swap3A_449, %swap3A_450], %broadcast_in_dim3A_448 {strides = array<i32>} : memref<256x20xi32, #tpu.memory_space<vmem>>, vector<256x1xi32>,
    %or3A_452 = arith.ori %or3A_423, %eq3A_442 : vector<256x200xi1>
    %jit3A_453 = arith.constant 0xFF800000 : f32
    %broadcast_in_dim3A_454 = vector.broadcast %jit3A_453 : f32 to vector<256x200xf32>
    %select_n3A_455 = arith.select %eq3A_442, %broadcast_in_dim3A_454, %select_n3A_426 : vector<256x200xi1>, vector<256x200xf32>
    %reduce_max3A_456 = arith.constant dense<0xFF800000> : vector<256xf32>
    %reduce_max3A_457 = vector.multi_reduction <maximumf>, %select_n3A_455, %reduce_max3A_456 [1] : vector<256x200xf32> to vector<256xf32>
    %broadcast_in_dim3A_458 = vector.shape_cast %reduce_max3A_457 : vector<256xf32> to vector<256x1xf32>
    %eq3A_459 = vector.broadcast %broadcast_in_dim3A_458 : vector<256x1xf32> to vector<256x200xf32>
    %eq3A_460 = arith.cmpf oeq, %select_n3A_455, %eq3A_459 : vector<256x200xf32>
    %not3A_461 = arith.constant dense<true> : vector<256x200xi1>
    %not3A_462 = arith.xori %or3A_452, %not3A_461 : vector<256x200xi1>
    %and3A_463 = arith.andi %eq3A_460, %not3A_462 : vector<256x200xi1>
    %jit3A_464 = arith.constant 1073741824 : i32
    %broadcast_in_dim3A_465 = vector.broadcast %jit3A_464 : i32 to vector<256x200xi32>
    %select_n3A_466 = arith.select %and3A_463, %iota3A, %broadcast_in_dim3A_465 : vector<256x200xi1>, vector<256x200xi32>
    %reduce_min3A_467 = arith.constant dense<2147483647> : vector<256xi32>
    %reduce_min3A_468 = vector.multi_reduction <minsi>, %select_n3A_466, %reduce_min3A_467 [1] : vector<256x200xi32> to vector<256xi32>
    %broadcast_in_dim3A_469 = vector.shape_cast %reduce_min3A_468 : vector<256xi32> to vector<256x1xi32>
    %eq3A_470 = vector.broadcast %broadcast_in_dim3A_469 : vector<256x1xi32> to vector<256x200xi32>
    %eq3A_471 = arith.cmpi eq, %iota3A, %eq3A_470 : vector<256x200xi32>
    %jit3A_472 = arith.constant 0 : i32
    %broadcast_in_dim3A_473 = vector.broadcast %jit3A_472 : i32 to vector<256x200xi32>
    %select_n3A_474 = arith.select %eq3A_471, %get3A_1, %broadcast_in_dim3A_473 : vector<256x200xi1>, vector<256x200xi32>
    %reduce_sum3A_475 = arith.constant dense<0> : vector<256xi32>
    %reduce_sum3A_476 = vector.multi_reduction <add>, %select_n3A_474, %reduce_sum3A_475 [1] : vector<256x200xi32> to vector<256xi32>
    %broadcast_in_dim3A_477 = vector.shape_cast %reduce_sum3A_476 : vector<256xi32> to vector<256x1xi32>
    %swap3A_478 = arith.constant 0 : index
    %swap3A_479 = arith.constant 15 : index
    %swap3A_480 = vector.load %arg4[%swap3A_478, %swap3A_479] : memref<256x20xi32, #tpu.memory_space<vmem>>, vector<256x1xi32>
    tpu.vector_store %arg4[%swap3A_478, %swap3A_479], %broadcast_in_dim3A_477 {strides = array<i32>} : memref<256x20xi32, #tpu.memory_space<vmem>>, vector<256x1xi32>,
    %or3A_481 = arith.ori %or3A_452, %eq3A_471 : vector<256x200xi1>
    %jit3A_482 = arith.constant 0xFF800000 : f32
    %broadcast_in_dim3A_483 = vector.broadcast %jit3A_482 : f32 to vector<256x200xf32>
    %select_n3A_484 = arith.select %eq3A_471, %broadcast_in_dim3A_483, %select_n3A_455 : vector<256x200xi1>, vector<256x200xf32>
    %reduce_max3A_485 = arith.constant dense<0xFF800000> : vector<256xf32>
    %reduce_max3A_486 = vector.multi_reduction <maximumf>, %select_n3A_484, %reduce_max3A_485 [1] : vector<256x200xf32> to vector<256xf32>
    %broadcast_in_dim3A_487 = vector.shape_cast %reduce_max3A_486 : vector<256xf32> to vector<256x1xf32>
    %eq3A_488 = vector.broadcast %broadcast_in_dim3A_487 : vector<256x1xf32> to vector<256x200xf32>
    %eq3A_489 = arith.cmpf oeq, %select_n3A_484, %eq3A_488 : vector<256x200xf32>
    %not3A_490 = arith.constant dense<true> : vector<256x200xi1>
    %not3A_491 = arith.xori %or3A_481, %not3A_490 : vector<256x200xi1>
    %and3A_492 = arith.andi %eq3A_489, %not3A_491 : vector<256x200xi1>
    %jit3A_493 = arith.constant 1073741824 : i32
    %broadcast_in_dim3A_494 = vector.broadcast %jit3A_493 : i32 to vector<256x200xi32>
    %select_n3A_495 = arith.select %and3A_492, %iota3A, %broadcast_in_dim3A_494 : vector<256x200xi1>, vector<256x200xi32>
    %reduce_min3A_496 = arith.constant dense<2147483647> : vector<256xi32>
    %reduce_min3A_497 = vector.multi_reduction <minsi>, %select_n3A_495, %reduce_min3A_496 [1] : vector<256x200xi32> to vector<256xi32>
    %broadcast_in_dim3A_498 = vector.shape_cast %reduce_min3A_497 : vector<256xi32> to vector<256x1xi32>
    %eq3A_499 = vector.broadcast %broadcast_in_dim3A_498 : vector<256x1xi32> to vector<256x200xi32>
    %eq3A_500 = arith.cmpi eq, %iota3A, %eq3A_499 : vector<256x200xi32>
    %jit3A_501 = arith.constant 0 : i32
    %broadcast_in_dim3A_502 = vector.broadcast %jit3A_501 : i32 to vector<256x200xi32>
    %select_n3A_503 = arith.select %eq3A_500, %get3A_1, %broadcast_in_dim3A_502 : vector<256x200xi1>, vector<256x200xi32>
    %reduce_sum3A_504 = arith.constant dense<0> : vector<256xi32>
    %reduce_sum3A_505 = vector.multi_reduction <add>, %select_n3A_503, %reduce_sum3A_504 [1] : vector<256x200xi32> to vector<256xi32>
    %broadcast_in_dim3A_506 = vector.shape_cast %reduce_sum3A_505 : vector<256xi32> to vector<256x1xi32>
    %swap3A_507 = arith.constant 0 : index
    %swap3A_508 = arith.constant 16 : index
    %swap3A_509 = vector.load %arg4[%swap3A_507, %swap3A_508] : memref<256x20xi32, #tpu.memory_space<vmem>>, vector<256x1xi32>
    tpu.vector_store %arg4[%swap3A_507, %swap3A_508], %broadcast_in_dim3A_506 {strides = array<i32>} : memref<256x20xi32, #tpu.memory_space<vmem>>, vector<256x1xi32>,
    %or3A_510 = arith.ori %or3A_481, %eq3A_500 : vector<256x200xi1>
    %jit3A_511 = arith.constant 0xFF800000 : f32
    %broadcast_in_dim3A_512 = vector.broadcast %jit3A_511 : f32 to vector<256x200xf32>
    %select_n3A_513 = arith.select %eq3A_500, %broadcast_in_dim3A_512, %select_n3A_484 : vector<256x200xi1>, vector<256x200xf32>
    %reduce_max3A_514 = arith.constant dense<0xFF800000> : vector<256xf32>
    %reduce_max3A_515 = vector.multi_reduction <maximumf>, %select_n3A_513, %reduce_max3A_514 [1] : vector<256x200xf32> to vector<256xf32>
    %broadcast_in_dim3A_516 = vector.shape_cast %reduce_max3A_515 : vector<256xf32> to vector<256x1xf32>
    %eq3A_517 = vector.broadcast %broadcast_in_dim3A_516 : vector<256x1xf32> to vector<256x200xf32>
    %eq3A_518 = arith.cmpf oeq, %select_n3A_513, %eq3A_517 : vector<256x200xf32>
    %not3A_519 = arith.constant dense<true> : vector<256x200xi1>
    %not3A_520 = arith.xori %or3A_510, %not3A_519 : vector<256x200xi1>
    %and3A_521 = arith.andi %eq3A_518, %not3A_520 : vector<256x200xi1>
    %jit3A_522 = arith.constant 1073741824 : i32
    %broadcast_in_dim3A_523 = vector.broadcast %jit3A_522 : i32 to vector<256x200xi32>
    %select_n3A_524 = arith.select %and3A_521, %iota3A, %broadcast_in_dim3A_523 : vector<256x200xi1>, vector<256x200xi32>
    %reduce_min3A_525 = arith.constant dense<2147483647> : vector<256xi32>
    %reduce_min3A_526 = vector.multi_reduction <minsi>, %select_n3A_524, %reduce_min3A_525 [1] : vector<256x200xi32> to vector<256xi32>
    %broadcast_in_dim3A_527 = vector.shape_cast %reduce_min3A_526 : vector<256xi32> to vector<256x1xi32>
    %eq3A_528 = vector.broadcast %broadcast_in_dim3A_527 : vector<256x1xi32> to vector<256x200xi32>
    %eq3A_529 = arith.cmpi eq, %iota3A, %eq3A_528 : vector<256x200xi32>
    %jit3A_530 = arith.constant 0 : i32
    %broadcast_in_dim3A_531 = vector.broadcast %jit3A_530 : i32 to vector<256x200xi32>
    %select_n3A_532 = arith.select %eq3A_529, %get3A_1, %broadcast_in_dim3A_531 : vector<256x200xi1>, vector<256x200xi32>
    %reduce_sum3A_533 = arith.constant dense<0> : vector<256xi32>
    %reduce_sum3A_534 = vector.multi_reduction <add>, %select_n3A_532, %reduce_sum3A_533 [1] : vector<256x200xi32> to vector<256xi32>
    %broadcast_in_dim3A_535 = vector.shape_cast %reduce_sum3A_534 : vector<256xi32> to vector<256x1xi32>
    %swap3A_536 = arith.constant 0 : index
    %swap3A_537 = arith.constant 17 : index
    %swap3A_538 = vector.load %arg4[%swap3A_536, %swap3A_537] : memref<256x20xi32, #tpu.memory_space<vmem>>, vector<256x1xi32>
    tpu.vector_store %arg4[%swap3A_536, %swap3A_537], %broadcast_in_dim3A_535 {strides = array<i32>} : memref<256x20xi32, #tpu.memory_space<vmem>>, vector<256x1xi32>,
    %or3A_539 = arith.ori %or3A_510, %eq3A_529 : vector<256x200xi1>
    %jit3A_540 = arith.constant 0xFF800000 : f32
    %broadcast_in_dim3A_541 = vector.broadcast %jit3A_540 : f32 to vector<256x200xf32>
    %select_n3A_542 = arith.select %eq3A_529, %broadcast_in_dim3A_541, %select_n3A_513 : vector<256x200xi1>, vector<256x200xf32>
    %reduce_max3A_543 = arith.constant dense<0xFF800000> : vector<256xf32>
    %reduce_max3A_544 = vector.multi_reduction <maximumf>, %select_n3A_542, %reduce_max3A_543 [1] : vector<256x200xf32> to vector<256xf32>
    %broadcast_in_dim3A_545 = vector.shape_cast %reduce_max3A_544 : vector<256xf32> to vector<256x1xf32>
    %eq3A_546 = vector.broadcast %broadcast_in_dim3A_545 : vector<256x1xf32> to vector<256x200xf32>
    %eq3A_547 = arith.cmpf oeq, %select_n3A_542, %eq3A_546 : vector<256x200xf32>
    %not3A_548 = arith.constant dense<true> : vector<256x200xi1>
    %not3A_549 = arith.xori %or3A_539, %not3A_548 : vector<256x200xi1>
    %and3A_550 = arith.andi %eq3A_547, %not3A_549 : vector<256x200xi1>
    %jit3A_551 = arith.constant 1073741824 : i32
    %broadcast_in_dim3A_552 = vector.broadcast %jit3A_551 : i32 to vector<256x200xi32>
    %select_n3A_553 = arith.select %and3A_550, %iota3A, %broadcast_in_dim3A_552 : vector<256x200xi1>, vector<256x200xi32>
    %reduce_min3A_554 = arith.constant dense<2147483647> : vector<256xi32>
    %reduce_min3A_555 = vector.multi_reduction <minsi>, %select_n3A_553, %reduce_min3A_554 [1] : vector<256x200xi32> to vector<256xi32>
    %broadcast_in_dim3A_556 = vector.shape_cast %reduce_min3A_555 : vector<256xi32> to vector<256x1xi32>
    %eq3A_557 = vector.broadcast %broadcast_in_dim3A_556 : vector<256x1xi32> to vector<256x200xi32>
    %eq3A_558 = arith.cmpi eq, %iota3A, %eq3A_557 : vector<256x200xi32>
    %jit3A_559 = arith.constant 0 : i32
    %broadcast_in_dim3A_560 = vector.broadcast %jit3A_559 : i32 to vector<256x200xi32>
    %select_n3A_561 = arith.select %eq3A_558, %get3A_1, %broadcast_in_dim3A_560 : vector<256x200xi1>, vector<256x200xi32>
    %reduce_sum3A_562 = arith.constant dense<0> : vector<256xi32>
    %reduce_sum3A_563 = vector.multi_reduction <add>, %select_n3A_561, %reduce_sum3A_562 [1] : vector<256x200xi32> to vector<256xi32>
    %broadcast_in_dim3A_564 = vector.shape_cast %reduce_sum3A_563 : vector<256xi32> to vector<256x1xi32>
    %swap3A_565 = arith.constant 0 : index
    %swap3A_566 = arith.constant 18 : index
    %swap3A_567 = vector.load %arg4[%swap3A_565, %swap3A_566] : memref<256x20xi32, #tpu.memory_space<vmem>>, vector<256x1xi32>
    tpu.vector_store %arg4[%swap3A_565, %swap3A_566], %broadcast_in_dim3A_564 {strides = array<i32>} : memref<256x20xi32, #tpu.memory_space<vmem>>, vector<256x1xi32>,
    %or3A_568 = arith.ori %or3A_539, %eq3A_558 : vector<256x200xi1>
    %jit3A_569 = arith.constant 0xFF800000 : f32
    %broadcast_in_dim3A_570 = vector.broadcast %jit3A_569 : f32 to vector<256x200xf32>
    %select_n3A_571 = arith.select %eq3A_558, %broadcast_in_dim3A_570, %select_n3A_542 : vector<256x200xi1>, vector<256x200xf32>
    %reduce_max3A_572 = arith.constant dense<0xFF800000> : vector<256xf32>
    %reduce_max3A_573 = vector.multi_reduction <maximumf>, %select_n3A_571, %reduce_max3A_572 [1] : vector<256x200xf32> to vector<256xf32>
    %broadcast_in_dim3A_574 = vector.shape_cast %reduce_max3A_573 : vector<256xf32> to vector<256x1xf32>
    %eq3A_575 = vector.broadcast %broadcast_in_dim3A_574 : vector<256x1xf32> to vector<256x200xf32>
    %eq3A_576 = arith.cmpf oeq, %select_n3A_571, %eq3A_575 : vector<256x200xf32>
    %not3A_577 = arith.constant dense<true> : vector<256x200xi1>
    %not3A_578 = arith.xori %or3A_568, %not3A_577 : vector<256x200xi1>
    %and3A_579 = arith.andi %eq3A_576, %not3A_578 : vector<256x200xi1>
    %jit3A_580 = arith.constant 1073741824 : i32
    %broadcast_in_dim3A_581 = vector.broadcast %jit3A_580 : i32 to vector<256x200xi32>
    %select_n3A_582 = arith.select %and3A_579, %iota3A, %broadcast_in_dim3A_581 : vector<256x200xi1>, vector<256x200xi32>
    %reduce_min3A_583 = arith.constant dense<2147483647> : vector<256xi32>
    %reduce_min3A_584 = vector.multi_reduction <minsi>, %select_n3A_582, %reduce_min3A_583 [1] : vector<256x200xi32> to vector<256xi32>
    %broadcast_in_dim3A_585 = vector.shape_cast %reduce_min3A_584 : vector<256xi32> to vector<256x1xi32>
    %eq3A_586 = vector.broadcast %broadcast_in_dim3A_585 : vector<256x1xi32> to vector<256x200xi32>
    %eq3A_587 = arith.cmpi eq, %iota3A, %eq3A_586 : vector<256x200xi32>
    %jit3A_588 = arith.constant 0 : i32
    %broadcast_in_dim3A_589 = vector.broadcast %jit3A_588 : i32 to vector<256x200xi32>
    %select_n3A_590 = arith.select %eq3A_587, %get3A_1, %broadcast_in_dim3A_589 : vector<256x200xi1>, vector<256x200xi32>
    %reduce_sum3A_591 = arith.constant dense<0> : vector<256xi32>
    %reduce_sum3A_592 = vector.multi_reduction <add>, %select_n3A_590, %reduce_sum3A_591 [1] : vector<256x200xi32> to vector<256xi32>
    %broadcast_in_dim3A_593 = vector.shape_cast %reduce_sum3A_592 : vector<256xi32> to vector<256x1xi32>
    %swap3A_594 = arith.constant 0 : index
    %swap3A_595 = arith.constant 19 : index
    %swap3A_596 = vector.load %arg4[%swap3A_594, %swap3A_595] : memref<256x20xi32, #tpu.memory_space<vmem>>, vector<256x1xi32>
    tpu.vector_store %arg4[%swap3A_594, %swap3A_595], %broadcast_in_dim3A_593 {strides = array<i32>} : memref<256x20xi32, #tpu.memory_space<vmem>>, vector<256x1xi32>,
    return
  }
  func.func @transform_0(%arg0: i32) -> (i32, i32) {
    %c0_i32 = arith.constant 0 : i32
    %c0_i32_0 = arith.constant 0 : i32
    return %arg0, %c0_i32 : i32, i32
  }
  func.func @transform_1(%arg0: i32) -> (i32, i32) {
    %c0_i32 = arith.constant 0 : i32
    %c0_i32_0 = arith.constant 0 : i32
    return %arg0, %c0_i32 : i32, i32
  }
  func.func @transform_2(%arg0: i32) -> (i32, i32) {
    %c0_i32 = arith.constant 0 : i32
    %c0_i32_0 = arith.constant 0 : i32
    return %arg0, %c0_i32 : i32, i32
  }
  func.func @transform_3(%arg0: i32) -> (i32, i32) {
    %c0_i32 = arith.constant 0 : i32
    %c0_i32_0 = arith.constant 0 : i32
    return %arg0, %c0_i32 : i32, i32
  }
}

module attributes {stable_mosaic.version = 14 : i64} {
  func.func @_dense_body(%arg0: i32, %arg1: memref<16x200x128xf32, #tpu.memory_space<vmem>>, %arg2: memref<16x200xi32, #tpu.memory_space<vmem>>, %arg3: memref<16x20x128xf32, #tpu.memory_space<vmem>>, %arg4: memref<16x20xi32, #tpu.memory_space<vmem>>, %arg5: memref<128x32xf32, #tpu.memory_space<vmem>>, %arg6: memref<128x32xf32, #tpu.memory_space<vmem>>, %arg7: memref<1x32xf32, #tpu.memory_space<vmem>>, %arg8: memref<1x32xf32, #tpu.memory_space<vmem>>, %arg9: memref<16x200x32xf32, #tpu.memory_space<vmem>>) attributes {dimension_semantics = [#tpu.dimension_semantics<arbitrary>], iteration_bounds = array<i64: 256>, scalar_prefetch = 0 : i64, scratch_operands = 0 : i64, tpu.core_type = #tpu.core_type<tc>, window_params = [{transform_indices = @transform_0, window_bounds = array<i64: 16, 200, 128>}, {transform_indices = @transform_1, window_bounds = array<i64: 16, 200>}, {transform_indices = @transform_2, window_bounds = array<i64: 16, 20, 128>}, {transform_indices = @transform_3, window_bounds = array<i64: 16, 20>}, {pipeline_mode = #tpu.pipeline_mode<synchronous>, transform_indices = @transform_4, window_bounds = array<i64: 128, 32>}, {pipeline_mode = #tpu.pipeline_mode<synchronous>, transform_indices = @transform_5, window_bounds = array<i64: 128, 32>}, {pipeline_mode = #tpu.pipeline_mode<synchronous>, transform_indices = @transform_6, window_bounds = array<i64: 1, 32>}, {pipeline_mode = #tpu.pipeline_mode<synchronous>, transform_indices = @transform_7, window_bounds = array<i64: 1, 32>}, {transform_indices = @transform_8, window_bounds = array<i64: 16, 200, 32>}]} {
    %iota3A = tpu.iota {dimensions = array<i32: 2>} : vector<16x20x128xi32>
    %jit3A = arith.constant 32 : i32
    %div3A = vector.broadcast %jit3A : i32 to vector<16x20x128xi32>
    %div3A_0 = arith.divsi %iota3A, %div3A : vector<16x20x128xi32>
    %sign3A = arith.constant 0 : i32
    %sign3A_1 = vector.broadcast %sign3A : i32 to vector<16x20x128xi32>
    %sign3A_2 = arith.cmpi sgt, %iota3A, %sign3A_1 : vector<16x20x128xi32>
    %sign3A_3 = arith.extui %sign3A_2 : vector<16x20x128xi1> to vector<16x20x128xi32>
    %sign3A_4 = arith.constant 0 : i32
    %sign3A_5 = vector.broadcast %sign3A_4 : i32 to vector<16x20x128xi32>
    %sign3A_6 = arith.cmpi slt, %iota3A, %sign3A_5 : vector<16x20x128xi32>
    %sign3A_7 = arith.extui %sign3A_6 : vector<16x20x128xi1> to vector<16x20x128xi32>
    %sign3A_8 = arith.subi %sign3A_3, %sign3A_7 : vector<16x20x128xi32>
    %sign3A_9 = arith.constant 0 : i32
    %sign3A_10 = arith.cmpi sgt, %jit3A, %sign3A_9 : i32
    %sign3A_11 = arith.extui %sign3A_10 : i1 to i32
    %sign3A_12 = arith.constant 0 : i32
    %sign3A_13 = arith.cmpi slt, %jit3A, %sign3A_12 : i32
    %sign3A_14 = arith.extui %sign3A_13 : i1 to i32
    %sign3A_15 = arith.subi %sign3A_11, %sign3A_14 : i32
    %ne3A = vector.broadcast %sign3A_15 : i32 to vector<16x20x128xi32>
    %ne3A_16 = arith.cmpi ne, %sign3A_8, %ne3A : vector<16x20x128xi32>
    %rem3A = vector.broadcast %jit3A : i32 to vector<16x20x128xi32>
    %rem3A_17 = arith.remsi %iota3A, %rem3A : vector<16x20x128xi32>
    %ne3A_18 = arith.constant 0 : i32
    %ne3A_19 = vector.broadcast %ne3A_18 : i32 to vector<16x20x128xi32>
    %ne3A_20 = arith.cmpi ne, %rem3A_17, %ne3A_19 : vector<16x20x128xi32>
    %and3A = arith.andi %ne3A_16, %ne3A_20 : vector<16x20x128xi1>
    %sub3A = arith.constant 1 : i32
    %sub3A_21 = vector.broadcast %sub3A : i32 to vector<16x20x128xi32>
    %sub3A_22 = arith.subi %div3A_0, %sub3A_21 : vector<16x20x128xi32>
    %select_n3A = arith.select %and3A, %sub3A_22, %div3A_0 : vector<16x20x128xi1>, vector<16x20x128xi32>
    %get3A = arith.constant 0 : index
    %get3A_23 = arith.constant 0 : index
    %get3A_24 = vector.load %arg4[%get3A, %get3A_23] : memref<16x20xi32, #tpu.memory_space<vmem>>, vector<16x20xi32>
    %and3A_25 = arith.constant 3 : i32
    %and3A_26 = vector.broadcast %and3A_25 : i32 to vector<16x20xi32>
    %and3A_27 = arith.andi %get3A_24, %and3A_26 : vector<16x20xi32>
    %broadcast_in_dim3A = vector.shape_cast %and3A_27 : vector<16x20xi32> to vector<16x20x1xi32>
    %eq3A = vector.broadcast %broadcast_in_dim3A : vector<16x20x1xi32> to vector<16x20x128xi32>
    %eq3A_28 = arith.cmpi eq, %select_n3A, %eq3A : vector<16x20x128xi32>
    %get3A_29 = arith.constant 0 : index
    %get3A_30 = arith.constant 0 : index
    %get3A_31 = arith.constant 0 : index
    %get3A_32 = vector.load %arg3[%get3A_29, %get3A_30, %get3A_31] : memref<16x20x128xf32, #tpu.memory_space<vmem>>, vector<16x20x128xf32>
    %jit3A_33 = arith.constant 0.000000e+00 : f32
    %broadcast_in_dim3A_34 = vector.broadcast %jit3A_33 : f32 to vector<16x20x128xf32>
    %select_n3A_35 = arith.select %eq3A_28, %get3A_32, %broadcast_in_dim3A_34 : vector<16x20x128xi1>, vector<16x20x128xf32>
    %reduce_sum3A = arith.constant dense<0.000000e+00> : vector<16x128xf32>
    %reduce_sum3A_36 = vector.multi_reduction <add>, %select_n3A_35, %reduce_sum3A [1] : vector<16x20x128xf32> to vector<16x128xf32>
    %get3A_37 = arith.constant 0 : index
    %get3A_38 = arith.constant 0 : index
    %get3A_39 = vector.load %arg6[%get3A_37, %get3A_38] : memref<128x32xf32, #tpu.memory_space<vmem>>, vector<128x32xf32>
    %dot_general3A = arith.constant dense<0.000000e+00> : vector<16x32xf32>
    %dot_general3A_40 = tpu.matmul %reduce_sum3A_36, %get3A_39, %dot_general3A {dimension_numbers = #tpu.dot_dimension_numbers<[1], [0], [0], [1], [0, 0, 1, 1], [], []>, transpose_lhs_hint = false} : vector<16x128xf32>, vector<128x32xf32>, vector<16x32xf32> -> vector<16x32xf32>
    %get3A_41 = arith.constant 0 : index
    %get3A_42 = arith.constant 0 : index
    %get3A_43 = vector.load %arg8[%get3A_41, %get3A_42] : memref<1x32xf32, #tpu.memory_space<vmem>>, vector<1x32xf32>
    %add3A = vector.broadcast %get3A_43 : vector<1x32xf32> to vector<16x32xf32>
    %add3A_44 = arith.addf %dot_general3A_40, %add3A : vector<16x32xf32>
    %iota3A_45 = tpu.iota {dimensions = array<i32: 2>} : vector<16x200x128xi32>
    %jit3A_46 = arith.constant 32 : i32
    %div3A_47 = vector.broadcast %jit3A_46 : i32 to vector<16x200x128xi32>
    %div3A_48 = arith.divsi %iota3A_45, %div3A_47 : vector<16x200x128xi32>
    %sign3A_49 = arith.constant 0 : i32
    %sign3A_50 = vector.broadcast %sign3A_49 : i32 to vector<16x200x128xi32>
    %sign3A_51 = arith.cmpi sgt, %iota3A_45, %sign3A_50 : vector<16x200x128xi32>
    %sign3A_52 = arith.extui %sign3A_51 : vector<16x200x128xi1> to vector<16x200x128xi32>
    %sign3A_53 = arith.constant 0 : i32
    %sign3A_54 = vector.broadcast %sign3A_53 : i32 to vector<16x200x128xi32>
    %sign3A_55 = arith.cmpi slt, %iota3A_45, %sign3A_54 : vector<16x200x128xi32>
    %sign3A_56 = arith.extui %sign3A_55 : vector<16x200x128xi1> to vector<16x200x128xi32>
    %sign3A_57 = arith.subi %sign3A_52, %sign3A_56 : vector<16x200x128xi32>
    %sign3A_58 = arith.constant 0 : i32
    %sign3A_59 = arith.cmpi sgt, %jit3A_46, %sign3A_58 : i32
    %sign3A_60 = arith.extui %sign3A_59 : i1 to i32
    %sign3A_61 = arith.constant 0 : i32
    %sign3A_62 = arith.cmpi slt, %jit3A_46, %sign3A_61 : i32
    %sign3A_63 = arith.extui %sign3A_62 : i1 to i32
    %sign3A_64 = arith.subi %sign3A_60, %sign3A_63 : i32
    %ne3A_65 = vector.broadcast %sign3A_64 : i32 to vector<16x200x128xi32>
    %ne3A_66 = arith.cmpi ne, %sign3A_57, %ne3A_65 : vector<16x200x128xi32>
    %rem3A_67 = vector.broadcast %jit3A_46 : i32 to vector<16x200x128xi32>
    %rem3A_68 = arith.remsi %iota3A_45, %rem3A_67 : vector<16x200x128xi32>
    %ne3A_69 = arith.constant 0 : i32
    %ne3A_70 = vector.broadcast %ne3A_69 : i32 to vector<16x200x128xi32>
    %ne3A_71 = arith.cmpi ne, %rem3A_68, %ne3A_70 : vector<16x200x128xi32>
    %and3A_72 = arith.andi %ne3A_66, %ne3A_71 : vector<16x200x128xi1>
    %sub3A_73 = arith.constant 1 : i32
    %sub3A_74 = vector.broadcast %sub3A_73 : i32 to vector<16x200x128xi32>
    %sub3A_75 = arith.subi %div3A_48, %sub3A_74 : vector<16x200x128xi32>
    %select_n3A_76 = arith.select %and3A_72, %sub3A_75, %div3A_48 : vector<16x200x128xi1>, vector<16x200x128xi32>
    %get3A_77 = arith.constant 0 : index
    %get3A_78 = arith.constant 0 : index
    %get3A_79 = vector.load %arg2[%get3A_77, %get3A_78] : memref<16x200xi32, #tpu.memory_space<vmem>>, vector<16x200xi32>
    %and3A_80 = arith.constant 3 : i32
    %and3A_81 = vector.broadcast %and3A_80 : i32 to vector<16x200xi32>
    %and3A_82 = arith.andi %get3A_79, %and3A_81 : vector<16x200xi32>
    %broadcast_in_dim3A_83 = vector.shape_cast %and3A_82 : vector<16x200xi32> to vector<16x200x1xi32>
    %eq3A_84 = vector.broadcast %broadcast_in_dim3A_83 : vector<16x200x1xi32> to vector<16x200x128xi32>
    %eq3A_85 = arith.cmpi eq, %select_n3A_76, %eq3A_84 : vector<16x200x128xi32>
    %get3A_86 = arith.constant 0 : index
    %get3A_87 = arith.constant 0 : index
    %get3A_88 = arith.constant 0 : index
    %get3A_89 = vector.load %arg1[%get3A_86, %get3A_87, %get3A_88] : memref<16x200x128xf32, #tpu.memory_space<vmem>>, vector<16x200x128xf32>
    %jit3A_90 = arith.constant 0.000000e+00 : f32
    %broadcast_in_dim3A_91 = vector.broadcast %jit3A_90 : f32 to vector<16x200x128xf32>
    %select_n3A_92 = arith.select %eq3A_85, %get3A_89, %broadcast_in_dim3A_91 : vector<16x200x128xi1>, vector<16x200x128xf32>
    %get3A_93 = arith.constant 0 : index
    %get3A_94 = arith.constant 0 : index
    %get3A_95 = vector.load %arg5[%get3A_93, %get3A_94] : memref<128x32xf32, #tpu.memory_space<vmem>>, vector<128x32xf32>
    %dot_general3A_96 = arith.constant dense<0.000000e+00> : vector<16x200x32xf32>
    %dot_general3A_97 = tpu.matmul %select_n3A_92, %get3A_95, %dot_general3A_96 {dimension_numbers = #tpu.dot_dimension_numbers<[2], [0], [0, 1], [1], [0, 0, 0, 1, 1, 1], [], []>, transpose_lhs_hint = false} : vector<16x200x128xf32>, vector<128x32xf32>, vector<16x200x32xf32> -> vector<16x200x32xf32>
    %get3A_98 = arith.constant 0 : index
    %get3A_99 = arith.constant 0 : index
    %get3A_100 = vector.load %arg7[%get3A_98, %get3A_99] : memref<1x32xf32, #tpu.memory_space<vmem>>, vector<1x32xf32>
    %broadcast_in_dim3A_101 = vector.shape_cast %get3A_100 : vector<1x32xf32> to vector<1x1x32xf32>
    %add3A_102 = vector.broadcast %broadcast_in_dim3A_101 : vector<1x1x32xf32> to vector<16x200x32xf32>
    %add3A_103 = arith.addf %dot_general3A_97, %add3A_102 : vector<16x200x32xf32>
    %broadcast_in_dim3A_104 = vector.shape_cast %add3A_44 : vector<16x32xf32> to vector<16x1x32xf32>
    %add3A_105 = vector.broadcast %broadcast_in_dim3A_104 : vector<16x1x32xf32> to vector<16x200x32xf32>
    %add3A_106 = arith.addf %add3A_103, %add3A_105 : vector<16x200x32xf32>
    %max3A = arith.constant 0.000000e+00 : f32
    %max3A_107 = vector.broadcast %max3A : f32 to vector<16x200x32xf32>
    %max3A_108 = arith.maximumf %add3A_106, %max3A_107 : vector<16x200x32xf32>
    %swap3A = arith.constant 0 : index
    %swap3A_109 = arith.constant 0 : index
    %swap3A_110 = arith.constant 0 : index
    %swap3A_111 = vector.load %arg9[%swap3A, %swap3A_109, %swap3A_110] : memref<16x200x32xf32, #tpu.memory_space<vmem>>, vector<16x200x32xf32>
    tpu.vector_store %arg9[%swap3A, %swap3A_109, %swap3A_110], %max3A_108 {strides = array<i32>} : memref<16x200x32xf32, #tpu.memory_space<vmem>>, vector<16x200x32xf32>,
    return
  }
  func.func @transform_0(%arg0: i32) -> (i32, i32, i32) {
    %c0_i32 = arith.constant 0 : i32
    %c0_i32_0 = arith.constant 0 : i32
    %c0_i32_1 = arith.constant 0 : i32
    return %arg0, %c0_i32, %c0_i32_0 : i32, i32, i32
  }
  func.func @transform_1(%arg0: i32) -> (i32, i32) {
    %c0_i32 = arith.constant 0 : i32
    %c0_i32_0 = arith.constant 0 : i32
    return %arg0, %c0_i32 : i32, i32
  }
  func.func @transform_2(%arg0: i32) -> (i32, i32, i32) {
    %c0_i32 = arith.constant 0 : i32
    %c0_i32_0 = arith.constant 0 : i32
    %c0_i32_1 = arith.constant 0 : i32
    return %arg0, %c0_i32, %c0_i32_0 : i32, i32, i32
  }
  func.func @transform_3(%arg0: i32) -> (i32, i32) {
    %c0_i32 = arith.constant 0 : i32
    %c0_i32_0 = arith.constant 0 : i32
    return %arg0, %c0_i32 : i32, i32
  }
  func.func @transform_4(%arg0: i32) -> (i32, i32) {
    %c0_i32 = arith.constant 0 : i32
    %c0_i32_0 = arith.constant 0 : i32
    %c0_i32_1 = arith.constant 0 : i32
    return %c0_i32, %c0_i32_0 : i32, i32
  }
  func.func @transform_5(%arg0: i32) -> (i32, i32) {
    %c0_i32 = arith.constant 0 : i32
    %c0_i32_0 = arith.constant 0 : i32
    %c0_i32_1 = arith.constant 0 : i32
    return %c0_i32, %c0_i32_0 : i32, i32
  }
  func.func @transform_6(%arg0: i32) -> (i32, i32) {
    %c0_i32 = arith.constant 0 : i32
    %c0_i32_0 = arith.constant 0 : i32
    %c0_i32_1 = arith.constant 0 : i32
    return %c0_i32, %c0_i32_0 : i32, i32
  }
  func.func @transform_7(%arg0: i32) -> (i32, i32) {
    %c0_i32 = arith.constant 0 : i32
    %c0_i32_0 = arith.constant 0 : i32
    %c0_i32_1 = arith.constant 0 : i32
    return %c0_i32, %c0_i32_0 : i32, i32
  }
  func.func @transform_8(%arg0: i32) -> (i32, i32, i32) {
    %c0_i32 = arith.constant 0 : i32
    %c0_i32_0 = arith.constant 0 : i32
    %c0_i32_1 = arith.constant 0 : i32
    return %arg0, %c0_i32, %c0_i32_0 : i32, i32, i32
  }
}

</mosaic_0001>

<sc_bundles>
// kernel: _kernel_impl.6.cloned.1.call-start
scs
__scs_entry_jumppad:
0x0: {  	(pc) =	sbr.rel $0x88, $3  }
0x1: {  	(tag) =	ssettag $0x0;
	lr =	simm.s32 $0x1  }
0x2: {  	[smem:$0x3F9A] =	sst lr;
	_ =	strace $0xD0000000  }
0x3: {  	_ = 	snop  }
0x4: {  	_ = 	snop  }
0x5: {  	_ = 	snop  }
0x6: {  	_ = 	snop  }
0x7: {  	_ = 	snop  }
__scs_overlays_trampoline_lowered:
0x8: {  	[smem:$0x3FA9] =	sst s0  }
0x9: {  	[smem:$0x3FAA] =	sst s1  }
0xa: {  	[smem:$0x3FAB] =	sst s2  }
0xb: {  	[smem:$0x3FAC] =	sst s3  }
0xc: {  	[smem:$0x3FAD] =	sst s4  }
0xd: {  	[smem:$0x3FAE] =	sst s5  }
0xe: {  	[smem:$0x3FAF] =	sst s6  }
0xf: {  	[smem:$0x3FB0] =	sst s7  }
0x10: {  	[smem:$0x3FB1] =	sst s8  }
0x11: {  	[smem:$0x3FB2] =	sst s9;
	s0 =	simm.s32 @!p0 $0x0  }
0x12: {  	s1 =	sld [smem:$0x3F98];
	s0 =	simm.s32 @p0 $0x1  }
0x13: {  	[smem:$0x3FB3] =	sst s0;
	s0 =	simm.s32 @!p1 $0x0  }
0x14: {  	s2 =	sld [smem:$0x3F97];
	s0 =	simm.s32 @p1 $0x1  }
0x15: {  	[smem:$0x3FB4] =	sst s0;
	s0 =	simm.s32 @!p2 $0x0  }
0x16: {  	s3 =	sld [smem:$0x3FDB];
	s0 =	simm.s32 @p2 $0x1  }
0x17: {  	s4 =	simm.s32 $0x1BF5;
	[smem:$0x3FB6] =	sst s0  }
0x18: {  	s0 =	sld [smem:$0x3F99];
	_ =	swait.ge [sflag:s4], $0x0  }
0x19: {  	s7 =	sld [smem:$0x3F9A]  }
0x1a: {  	s8 =	sadd.s32 $0xFFFFE003, lr  }
0x1b: {  	s9 =	sadd.s32 $0xFFFFFEF7, lr;
	s5 =	simm.s32 $0xFFFFFFFF;
	p2 =	slt.u32 s8, $0xFFFFF086  }
0x1c: {  	p1 =	slt.u32 s9, $0xF7A;
	s5 =	simm.s32 @!p2 $0x0  }
0x1d: {  	s5 =	simm.s32 @p1 $0x1;
	p0 =	seq.s32 s7, s2  }
0x1e: {  	s7 =	smul.u32 @!p0 $0xF7A, s2;
	p2 =	seq.s32 @!p0 s5, $0x0  }
0x1f: {  	s9 =	smul.u32 $0xF7A, s1;
	s8 =	simm.s32 @!p0 $0x1BF5;
	p2 =	por !p2, p0  }
0x20: {  	[sflag:s8] =	ssyncset.s32 @!p0 $0xFFFFF086;
	s6 =	sadd.s32 @!p0 s3, s7;
	s7 =	simm.s32 @!p0 $0x108  }
0x21: {  	s3 =	sadd.s32 s3, s9;
	s6 =	sadd.s32 @!p0 $0x88, s6;
	s7 =	simm.s32 @p2 $0x1082  }
0x22: {  	[simem:s7], [sflag:s8] =	dma.local @!p0 [hbm:s6], $0xF7A  }
0x23: {  	s9 =	sor.u32 $0xD0000000, s2;
	s6 =	simm.s32 $0x108;
	_ =	swait.ge @!p0 [sflag:s8], $0x0  }
0x24: {  	s3 =	sadd.s32 $0x88, s3;
	s6 =	simm.s32 @!p1 $0x1082;
	[sflag:s4] =	ssyncset.s32 $0xFFFFF086  }
0x25: {  	[simem:s6], [sflag:s4] =	dma.local [hbm:s3], $0xF7A  }
0x26: {  	[smem:$0x3F9A] =	sst s1;
	(tag) =	ssettag s2;
	_ =	strace s9  }
0x27: {  	s1 =	sld [smem:$0x3FAA]  }
0x28: {  	s2 =	sld [smem:$0x3FAB]  }
0x29: {  	s4 =	sld [smem:$0x3FAD]  }
0x2a: {  	p0 =	seq.s32 s5, $0x0;
	s5 =	sld [smem:$0x3FAE]  }
0x2b: {  	s6 =	sld [smem:$0x3FAF]  }
0x2c: {  	s7 =	sld [smem:$0x3FB0]  }
0x2d: {  	s3 =	simm.s32 $0x108;
	s8 =	sld [smem:$0x3FB1]  }
0x2e: {  	s3 =	simm.s32 @!p0 $0x1082;
	s9 =	sld [smem:$0x3FB2]  }
0x2f: {  	lr =	sadd.s32 s0, s3;
	s0 =	sld [smem:$0x3FA9]  }
0x30: {  	s3 =	sld [smem:$0x3FAC]  }
0x31: {  	[smem:$0x3FB5] =	sst s10  }
0x32: {  	s10 =	sld [smem:$0x3FB3];
	_ =	sdelay $0x3  }
0x33: {  	p0 =	seq.s32 s10, $0x1;
	s10 =	sld [smem:$0x3FB5];
	_ =	sdelay $0x3  }
0x34: {  	[smem:$0x3FB5] =	sst s10  }
0x35: {  	s10 =	sld [smem:$0x3FB4];
	_ =	sdelay $0x3  }
0x36: {  	p1 =	seq.s32 s10, $0x1;
	s10 =	sld [smem:$0x3FB5];
	_ =	sdelay $0x3  }
0x37: {  	[smem:$0x3FB5] =	sst s10  }
0x38: {  	s10 =	sld [smem:$0x3FB6]  }
0x39: {  	_ = 	snop;
	(pc) =	sbr.ind lr, $3  }
0x3a: {  	_ = 	snop  }
0x3b: {  	_ = 	snop  }
0x3c: {  	p2 =	seq.s32 s10, $0x1;
	s10 =	sld [smem:$0x3FB5]  }
0x3d: {  	_ =	shalt  }
0x3e: {  	_ =	shalt  }
0x3f: {  	_ =	shalt  }
0x40: {  	_ =	shalt  }
0x41: {  	_ =	shalt  }
0x42: {  	_ =	shalt  }
0x43: {  	_ =	shalt  }
0x44: {  	_ =	shalt  }
0x45: {  	_ =	shalt  }
0x46: {  	_ =	shalt  }
0x47: {  	_ =	shalt  }
0x48: {  	_ =	shalt  }
0x49: {  	_ =	shalt  }
0x4a: {  	_ =	shalt  }
0x4b: {  	_ =	shalt  }
0x4c: {  	_ =	shalt  }
0x4d: {  	_ =	shalt  }
0x4e: {  	_ =	shalt  }
0x4f: {  	_ =	shalt  }
0x50: {  	_ =	shalt  }
0x51: {  	_ =	shalt  }
0x52: {  	_ =	shalt  }
0x53: {  	_ =	shalt  }
0x54: {  	_ =	shalt  }
0x55: {  	_ =	shalt  }
0x56: {  	_ =	shalt  }
0x57: {  	_ =	shalt  }
0x58: {  	_ =	shalt  }
0x59: {  	_ =	shalt  }
0x5a: {  	_ =	shalt  }
0x5b: {  	_ =	shalt  }
0x5c: {  	_ =	shalt  }
0x5d: {  	_ =	shalt  }
0x5e: {  	_ =	shalt  }
0x5f: {  	_ =	shalt  }
0x60: {  	_ =	shalt  }
0x61: {  	_ =	shalt  }
0x62: {  	_ =	shalt  }
0x63: {  	_ =	shalt  }
0x64: {  	_ =	shalt  }
0x65: {  	_ =	shalt  }
0x66: {  	_ =	shalt  }
0x67: {  	_ =	shalt  }
0x68: {  	_ =	shalt  }
0x69: {  	_ =	shalt  }
0x6a: {  	_ =	shalt  }
0x6b: {  	_ =	shalt  }
0x6c: {  	_ =	shalt  }
0x6d: {  	_ =	shalt  }
0x6e: {  	_ =	shalt  }
0x6f: {  	_ =	shalt  }
0x70: {  	_ =	shalt  }
0x71: {  	_ =	shalt  }
0x72: {  	_ =	shalt  }
0x73: {  	_ =	shalt  }
0x74: {  	_ =	shalt  }
0x75: {  	_ =	shalt  }
0x76: {  	_ =	shalt  }
0x77: {  	_ =	shalt  }
0x78: {  	_ =	shalt  }
0x79: {  	_ =	shalt  }
0x7a: {  	_ =	shalt  }
0x7b: {  	_ =	shalt  }
0x7c: {  	_ =	shalt  }
0x7d: {  	_ =	shalt  }
0x7e: {  	_ =	shalt  }
0x7f: {  	_ =	shalt  }
0x80: {  	_ =	shalt  }
0x81: {  	_ =	shalt  }
0x82: {  	_ =	shalt  }
0x83: {  	_ =	shalt  }
0x84: {  	_ =	shalt  }
0x85: {  	_ =	shalt  }
0x86: {  	_ =	shalt  }
0x87: {  	_ =	shalt  }
.Lfunc_end0:
.L_simem_size_0:
called_computation_lowered:
.L_overlay_start_0:
0x88: {  	s2 =	sld [smem:$0x3FD9]  }
0x89: {  	s3 =	sld [smem:$0x3FFE];
	_ =	sdelay $0x1  }
0x8a: {  	s1 =	srdreg.scid  }
0x8b: {  	s0 =	sand.u32 $0x1, s1  }
0x8c: {  	s17 =	sshll.u32 s0, $0xA;
	s2 =	sadd.s32 s3, s2  }
0x8d: {  	s2 =	sadd.s32 s2, s17  }
0x8e: {  	[smem:$0x3FC1] =	sst s2  }
0x8f: {  	_ = 	snop  }
0x90: {  	(tm) =	ssettm $0x1  }
0x91: {  	s18 =	sld [smem:$0x3FFB];
	_ =	sdelay $0x3  }
0x92: {  	_ =	strace s18  }
0x93: {  	s2 =	sld [smem:$0x3FFC];
	_ =	sdelay $0x3  }
0x94: {  	_ =	strace s2  }
0x95: {  	s2 =	sld [smem:$0x3FFD];
	_ =	sdelay $0x3  }
0x96: {  	_ =	strace s2  }
0x97: {  	_ =	strace $0x8FFFFFFF  }
0x98: {  	s19 =	sld [smem:$0x3FDB];
	_ =	sdelay $0x1  }
0x99: {  	s20 =	simm.s32 $_scs_section_size  }
0x9a: {  	s4 =	simm.s32 $_size__tile_overlayer_lowered;
	s5 =	simm.s32 $_tile_overlayer_lowered  }
0x9b: {  	s6 =	simm.s32 $0x1BFF;
	s21 =	sshll.u32 s5, $0x1;
	s3 =	sadd.s32 s20, s19  }
0x9c: {  	s22 =	simm.s32 $0x0;
	s4 =	sshll.u32 s4, $0x1;
	s5 =	sadd.s32 s21, s3  }
0x9d: {  	[timem:s22], [sflag:s6] =	dma.local [hbm:s5], s4  }
0x9e: {  	_ =	swait.ge [sflag:s6], s4  }
0x9f: {  	s4 =	ssub.s32 $0x0, s4;
	[sflag:s6] =	ssyncset.done $0x0  }
0xa0: {  	[sflag:s6] =	ssyncadd.s32 s4;
	_ =	sdelay $0x1  }
0xa1: {  	s23 =	simm.s32 $0x1B8B  }
0xa2: {  	_ =	swait.ge [sflag:s23], $0x1  }
0xa3: {  	[sflag:s23] =	ssyncset.done $0x0  }
0xa4: {  	[sflag:s23] =	ssyncadd.s32 $0xFFFFFFFF  }
0xa5: {  	s4 =	sld [smem:$0x0]  }
0xa6: {  	s5 =	sand.u32 $0xFFFFFFFE, s1  }
0xa7: {  	p0 =	sne.s32 s1, s5  }
0xa8: {  	s5 =	sshll.u32 @p0 s5, $0xE  }
0xa9: {  	s5 =	sadd.s32 @p0 $0x11B8D, s5;
	s6 =	sshll.u32 @p0 s4, $0x11  }
0xaa: {  	s5 =	sor.u32 @p0 s6, s5  }
0xab: {  	[sflag:s5] =	ssyncadd.remote.s32 @p0 $0x1;
	_ =	sdelay $0x1  }
0xac: {  	s5 =	simm.s32 @p0 $0x1B8D  }
0xad: {  	_ =	swait.eq @p0 [sflag:s5], $0x1  }
0xae: {  	[sflag:s5] =	ssyncadd.s32 @p0 $0xFFFFFFFF  }
0xaf: {  	s6 =	sshll.u32 @!p0 s1, $0xE  }
0xb0: {  	s6 =	sor.u32 @!p0 $0x4000, s6;
	s5 =	simm.s32 @!p0 $0x1B8D  }
0xb1: {  	s4 =	sshll.u32 @!p0 s4, $0x11;
	s6 =	sadd.s32 @!p0 $0x11B8D, s6;
	_ =	swait.eq @!p0 [sflag:s5], $0x1  }
0xb2: {  	s4 =	sor.u32 @!p0 s4, s6;
	[sflag:s5] =	ssyncadd.s32 @!p0 $0xFFFFFFFF  }
0xb3: {  	s25 =	simm.s32 $0x1B8E;
	s24 =	sld [smem:$0x3FFE];
	[sflag:s4] =	ssyncadd.remote.s32 @!p0 $0x1  }
0xb4: {  	s26 =	simm.s32 $execute0_lowered;
	[smem:$0x3FD2] =	sst s25  }
0xb5: {  	s5 =	sshll.u32 s26, $0x1;
	_ =	strace $0x80000049;
	[dreg:$0x1] =	wrdreg $0xFFFFFFFF  }
0xb6: {  	s28 =	simm.s32 $_size_execute0_lowered;
	s3 =	sadd.s32 s3, s5;
	[dreg:$0x0] =	wrdreg $0x0  }
0xb7: {  	s5 =	sshll.u32 s28, $0x1;
	[dreg:$0x2] =	wrdreg s3  }
0xb8: {  	[dreg:$0x3] =	wrdreg s5  }
0xb9: {  	[dreg:$0x4] =	wrdreg $0xC0  }
0xba: {  	_ =	task [dreg:s22], $0x5FFFF  }
0xbb: {  	[dreg:$0x1] =	wrdreg $0xFFFFFFFF  }
0xbc: {  	[dreg:$0x0] =	wrdreg $0x60  }
0xbd: {  	[dreg:$0x2] =	wrdreg s24  }
0xbe: {  	[dreg:$0x3] =	wrdreg $0x9  }
0xbf: {  	_ =	task.clear_ibuf [dreg:s22], $0x4FFFF;
	_ =	strace $0x90000049  }
0xc0: {  	s29 =	simm.s32 $0x9;
	_ =	strace $0x8000004B  }
0xc1: {  	_ =	swait.ge [sflag:s29], $0x1  }
0xc2: {  	[sflag:s29] =	ssyncadd.s32 $0xFFFFFFFF  }
0xc3: {  	_ =	strace $0x9000004B  }
0xc4: {  	_ =	sfence  }
0xc5: {  	s30 =	sld [smem:$0x0];
	_ =	sdelay $0x2  }
0xc6: {  	s31 =	sshll.u32 s1, $0xD;
	s1 =	sshrl.u32 s1, $0x2  }
0xc7: {  	s4 =	sand.u32 $0x4000, s31;
	s1 =	sadd.s32 s1, s30  }
0xc8: {  	s0 =	sor.u32 s4, s0;
	s1 =	sshll.u32 s1, $0x11  }
0xc9: {  	s0 =	sor.u32 s1, s0  }
0xca: {  	s0 =	sadd.s32 $0x8F2B, s0  }
0xcb: {  	[sflag:s0] =	ssyncadd.remote.s32 $0x1  }
0xcc: {  	_ =	sfence.sel $0xFFFF  }
0xcd: {  	[dreg:$0x0] =	wrdreg $0xFFFFFFFF;
	(pc) =	sbr.abs _section_cstart, $3  }
0xce: {  	[dreg:$0x1] =	wrdreg $0xFFFFFFFF  }
0xcf: {  	_ =	task.clear_ibuf [dreg:s22], $0x2FFFF;
	_ =	strace $0x9FFFFFFF  }
0xd0: {  	(tm) =	ssettm $0x7FFFFFFF  }
0xd1: {  	_ =	shalt  }
tec
execute0_lowered:
.L_overlay_start_1:
0x0: {  	(tag) =	ssettag $0x1  }
0x1: {  	s1 =	srdreg.scid  }
0x2: {  	s0 =	stileid.u32;
	s4 =	rddreg [dreg:$0x0];
	s2 =	simm.s32 $0x0  }
0x3: {  	s13 =	simm.s32 $0xE400;
	s14 =	simm.s32 $0x1;
	s15 =	simm.s32 $0x2  }
0x4: {  	s16 =	simm.s32 $0x6300;
	s17 =	simm.s32 $0x0;
	s10 =	smul.u32 $0x640000, s0  }
0x5: {  	s6 =	sand.u32 $0x1, s1;
	s1 =	rddreg [dreg:$0x1];
	s12 =	smul.u32 $0xC8000, s0  }
0x6: {  	s26 =	sshll.u32 s0, $0x1;
	[smem:$0x7FF] =	sst s2;
	s11 =	smul.u32 $0x320000, s6  }
0x7: {  	s3 =	sadd.s32 $0xF74200, s4;
	s5 =	sor.u32 s6, s26;
	s30 =	smul.u32 $0x64000, s6  }
0x8: {  	s9 =	sadd.s32 $0x18AE00, s4;
	s8 =	ssub.s32 $0x2, s6;
	s7 =	smul.u32 $0x6400, s5  }
0x9: {  	_ =	strace $0x8000004A;
	s5 =	smul.u32 $0x320000, s5;
	s28 =	sshrl.u32 s8, $0x1  }
0xa: {  	s12 =	sadd.s32 s12, s9;
	s8 =	ssub.s32 s8, s28;
	s10 =	sadd.s32 s11, s10  }
0xb: {  	s31 =	sadd.s32 s30, s12;
	s11 =	simm.s32 $0x100;
	s7 =	sshrl.u32 s7, $0x3  }
0xc: {  	s12 =	simm.s32 $0x6400;
	s5 =	sshrl.u32 s5, $0x3;
	s7 =	sadd.s32 s7, s4  }
0xd: {  	s10 =	sshrl.u32 s10, $0x3;
	s29 =	sadd.s32 s9, s5;
	s4 =	sadd.s32 $0x171E00, s7  }
0xe: {  	s5 =	sadd.s32 $0x62000, s29;
	s6 =	sadd.s32 $0x63000, s29;
	s7 =	smax.u32 s8, $0x1  }
0xf: {  	s8 =	sadd.s32 s10, s9;
	s9 =	sadd.s32 $0x1000, s31;
	s10 =	simm.s32 $0x3  }
.LBB2_1:
0x10: {  	[tilespmem:s2], [sflag:$0x3] =	stream.linear.gather [hbm4b:s4+s2], $0x6400, $0x38;
	[tilespmem:$0x16400] =	vst v63  }
0x11: {  	_ =	swait.ge [sflag:s10], $0x6400  }
0x12: {  	[sflag:s10] =	ssyncset.done $0x0  }
0x13: {  	[sflag:s10] =	ssyncadd.s32 $0xFFFF9C00  }
0x14: {  	[tilespmem:s12], [sflag:$0x1] =	stream.indirect.gather [hbm4b:s3+s11], $0x80, s2, s11, $0xb8;
	[tilespmem:$0x16400] =	vst v63  }
0x15: {  	s18 =	simm.s32 $0x100  }
0x16: {  	[tilespmem:s13], [sflag:$0x2] =	stream.indirect.gather [hbm4b:s3+s11], $0x80, s18, s11, $0xb8;
	[tilespmem:$0x16400] =	vst v63  }
0x17: {  	_ =	swait.ge [sflag:s14], $0x8000  }
0x18: {  	[sflag:s14] =	ssyncset.done $0x0  }
0x19: {  	s29 =	sadd.s32 $0x0, s8;
	[sflag:s14] =	ssyncadd.s32 $0xFFFF8000  }
0x1a: {  	[hbm4b:s29+s2] =	stream.linear.scatter [tilespmem:s12], [sflag:$0x3], $0x8000, $0x38;
	[tilespmem:$0x16400] =	vst v63  }
0x1b: {  	_ =	swait.ge [sflag:s10], $0x8000  }
0x1c: {  	[sflag:s10] =	ssyncset.done $0x0  }
0x1d: {  	s30 =	simm.s32 $0x200;
	[sflag:s10] =	ssyncadd.s32 $0xFFFF8000  }
0x1e: {  	[tilespmem:s12], [sflag:$0x1] =	stream.indirect.gather [hbm4b:s3+s11], $0x80, s30, s11, $0xb8;
	[tilespmem:$0x16400] =	vst v63  }
0x1f: {  	_ =	swait.ge [sflag:s15], $0x8000  }
0x20: {  	[sflag:s15] =	ssyncset.done $0x0  }
0x21: {  	s31 =	sadd.s32 $0x0, s9;
	[sflag:s15] =	ssyncadd.s32 $0xFFFF8000  }
0x22: {  	[hbm4b:s31+s2] =	stream.linear.scatter [tilespmem:s13], [sflag:$0x3], $0x8000, $0x38;
	[tilespmem:$0x16400] =	vst v63  }
0x23: {  	s20 =	simm.s32 $0x4000;
	_ =	swait.ge [sflag:s10], $0x8000  }
0x24: {  	s19 =	simm.s32 $0x400;
	s18 =	simm.s32 $0x2000;
	[sflag:s10] =	ssyncset.done $0x0  }
.LBB2_2:
0x25: {  	p0 =	sne.s32 s20, $0x60000;
	s21 =	sadd.s32 $0xFFFFFF00, s19;
	[sflag:s10] =	ssyncadd.s32 $0xFFFF8000  }
0x26: {  	[tilespmem:s13], [sflag:$0x2] =	stream.indirect.gather [hbm4b:s3+s11], $0x80, s21, s11, $0xb8;
	[tilespmem:$0x16400] =	vst v63  }
0x27: {  	s21 =	smov.u32 s20;
	s20 =	sadd.s32 $0x2000, s20;
	_ =	swait.ge [sflag:s14], $0x8000  }
0x28: {  	[sflag:s14] =	ssyncset.done $0x0  }
0x29: {  	s22 =	sadd.s32 s18, s8;
	[sflag:s14] =	ssyncadd.s32 $0xFFFF8000  }
0x2a: {  	[hbm4b:s22+s2] =	stream.linear.scatter [tilespmem:s12], [sflag:$0x3], $0x8000, $0x38;
	[tilespmem:$0x16400] =	vst v63  }
0x2b: {  	_ =	swait.ge [sflag:s10], $0x8000  }
0x2c: {  	[sflag:s10] =	ssyncset.done $0x0  }
0x2d: {  	[sflag:s10] =	ssyncadd.s32 $0xFFFF8000  }
0x2e: {  	[tilespmem:s12], [sflag:$0x1] =	stream.indirect.gather [hbm4b:s3+s11], $0x80, s19, s11, $0xb8;
	[tilespmem:$0x16400] =	vst v63  }
0x2f: {  	_ =	swait.ge [sflag:s15], $0x8000  }
.Ltmp0:
0x30: {  	[sflag:s15] =	ssyncset.done $0x0;
	(pc) =	sbr.rel @p0 .LBB2_2-.Ltmp0, $4  }
0x31: {  	s22 =	sadd.s32 s18, s9;
	s18 =	smov.u32 s21;
	[sflag:s15] =	ssyncadd.s32 $0xFFFF8000  }
0x32: {  	[hbm4b:s22+s2] =	stream.linear.scatter [tilespmem:s13], [sflag:$0x3], $0x8000, $0x38;
	[tilespmem:$0x16400] =	vst v63  }
0x33: {  	_ =	swait.ge [sflag:s10], $0x8000  }
0x34: {  	s19 =	sadd.s32 $0x200, s19;
	[sflag:s10] =	ssyncset.done $0x0  }
0x35: {  	s20 =	sadd.s32 $0xFFFFFF00, s19;
	[sflag:s10] =	ssyncadd.s32 $0xFFFF8000  }
0x36: {  	[tilespmem:s13], [sflag:$0x2] =	stream.indirect.gather [hbm4b:s3+s11], $0x80, s20, s11, $0xb8;
	[tilespmem:$0x16400] =	vst v63  }
0x37: {  	_ =	swait.ge [sflag:s14], $0x8000  }
0x38: {  	[sflag:s14] =	ssyncset.done $0x0  }
0x39: {  	s30 =	sadd.s32 s18, s8;
	[sflag:s14] =	ssyncadd.s32 $0xFFFF8000  }
0x3a: {  	[hbm4b:s30+s2] =	stream.linear.scatter [tilespmem:s12], [sflag:$0x3], $0x8000, $0x38;
	[tilespmem:$0x16400] =	vst v63  }
0x3b: {  	_ =	swait.ge [sflag:s10], $0x8000  }
0x3c: {  	[sflag:s10] =	ssyncset.done $0x0  }
0x3d: {  	[sflag:s10] =	ssyncadd.s32 $0xFFFF8000  }
0x3e: {  	[tilespmem:s12], [sflag:$0x1] =	stream.indirect.gather [hbm4b:s3+s11], $0x80, s19, s11, $0xb8;
	[tilespmem:$0x16400] =	vst v63  }
0x3f: {  	_ =	swait.ge [sflag:s15], $0x8000  }
0x40: {  	[sflag:s15] =	ssyncset.done $0x0  }
0x41: {  	s31 =	sadd.s32 s18, s9;
	[sflag:s15] =	ssyncadd.s32 $0xFFFF8000  }
0x42: {  	[hbm4b:s31+s2] =	stream.linear.scatter [tilespmem:s13], [sflag:$0x3], $0x8000, $0x38;
	[tilespmem:$0x16400] =	vst v63  }
0x43: {  	_ =	swait.ge [sflag:s10], $0x8000  }
0x44: {  	[sflag:s10] =	ssyncset.done $0x0  }
0x45: {  	[sflag:s10] =	ssyncadd.s32 $0xFFFF8000  }
0x46: {  	[tilespmem:s13], [sflag:$0x2] =	stream.indirect.gather [hbm4b:s3+s11], $0x80, s16, s11, $0xb8;
	[tilespmem:$0x16400] =	vst v63  }
0x47: {  	_ =	swait.ge [sflag:s14], $0x8000  }
0x48: {  	[sflag:s14] =	ssyncset.done $0x0  }
0x49: {  	[sflag:s14] =	ssyncadd.s32 $0xFFFF8000  }
0x4a: {  	[hbm4b:s5+s2] =	stream.linear.scatter [tilespmem:s12], [sflag:$0x3], $0x8000, $0x38;
	[tilespmem:$0x16400] =	vst v63  }
0x4b: {  	_ =	swait.ge [sflag:s10], $0x8000  }
0x4c: {  	[sflag:s10] =	ssyncset.done $0x0  }
0x4d: {  	[sflag:s10] =	ssyncadd.s32 $0xFFFF8000  }
0x4e: {  	s17 =	sadd.s32 $0x1, s17;
	_ =	swait.ge [sflag:s15], $0x8000  }
0x4f: {  	p0 =	sne.s32 s17, s7;
	[sflag:s15] =	ssyncset.done $0x0  }
.Ltmp1:
0x50: {  	[sflag:s15] =	ssyncadd.s32 $0xFFFF8000;
	(pc) =	sbr.rel @p0 .LBB2_1-.Ltmp1, $4  }
0x51: {  	[hbm4b:s6+s2] =	stream.linear.scatter [tilespmem:s13], [sflag:$0x3], $0x8000, $0x38;
	[tilespmem:$0x16400] =	vst v63  }
0x52: {  	_ =	swait.ge [sflag:s10], $0x8000  }
0x53: {  	[sflag:s10] =	ssyncset.done $0x0  }
0x54: {  	[sflag:s10] =	ssyncadd.s32 $0xFFFF8000  }
0x55: {  	_ =	sfence.sel $0x180000  }
0x56: {  	[bflag:$0x0] =	sbarrier.arrive $0xFFFF  }
0x57: {  	p0 =	sne.s32 s0, $0x0;
	_ =	strace $0x9000004A  }
0x58: {  	s0 =	sadd.s32 @!p0 $0x100000, s1;
	[bflag:$0x2] =	sbarrier.arrive $0xFFFF  }
0x59: {  	[sflag:s0] =	ssyncadd.tile.s32 @!p0 $0x1;
	_ =	shalt  }
.Lfunc_end2:
_tile_overlayer_lowered:
.L_overlay_start_2:
0x5a: {  	(tag) =	ssettag $0x2  }
0x5b: {  	s0 =	rddreg [dreg:$0x0];
	s2 =	stileid.u32  }
0x5c: {  	s1 =	rddreg [dreg:$0x1];
	p0 =	sne.s32 s2, $0x0  }
0x5d: {  	s3 =	rddreg [dreg:$0x2];
	[bflag:$0x3] =	sbarrier.arrive $0xFFFF;
	s2 =	simm.s32 @!p0 $0x1C03  }
0x5e: {  	[timem:s3], [sflag:s2] =	dma.local @!p0 [hbm:s0], s1  }
0x5f: {  	s0 =	simm.s32 @!p0 $0x3  }
0x60: {  	_ =	swait.ge @!p0 [sflag:s0], s1  }
0x61: {  	s1 =	ssub.s32 @!p0 $0x0, s1;
	[sflag:s0] =	ssyncset.done @!p0 $0x0  }
0x62: {  	[sflag:s0] =	ssyncadd.s32 @!p0 s1  }
0x63: {  	[bflag:$0x3] =	sbarrier.arrive $0xFFFF  }
0x64: {  	_ =	shalt  }

// kernel: _kernel_impl.9.cloned.1.call-start
scs
__scs_entry_jumppad:
0x0: {  	(pc) =	sbr.rel $0x88, $3  }
0x1: {  	(tag) =	ssettag $0x0;
	lr =	simm.s32 $0x1  }
0x2: {  	[smem:$0x3F9A] =	sst lr;
	_ =	strace $0xD0000000  }
0x3: {  	_ = 	snop  }
0x4: {  	_ = 	snop  }
0x5: {  	_ = 	snop  }
0x6: {  	_ = 	snop  }
0x7: {  	_ = 	snop  }
__scs_overlays_trampoline_lowered:
0x8: {  	[smem:$0x3FA9] =	sst s0  }
0x9: {  	[smem:$0x3FAA] =	sst s1  }
0xa: {  	[smem:$0x3FAB] =	sst s2  }
0xb: {  	[smem:$0x3FAC] =	sst s3  }
0xc: {  	[smem:$0x3FAD] =	sst s4  }
0xd: {  	[smem:$0x3FAE] =	sst s5  }
0xe: {  	[smem:$0x3FAF] =	sst s6  }
0xf: {  	[smem:$0x3FB0] =	sst s7  }
0x10: {  	[smem:$0x3FB1] =	sst s8  }
0x11: {  	[smem:$0x3FB2] =	sst s9;
	s0 =	simm.s32 @!p0 $0x0  }
0x12: {  	s1 =	sld [smem:$0x3F98];
	s0 =	simm.s32 @p0 $0x1  }
0x13: {  	[smem:$0x3FB3] =	sst s0;
	s0 =	simm.s32 @!p1 $0x0  }
0x14: {  	s2 =	sld [smem:$0x3F97];
	s0 =	simm.s32 @p1 $0x1  }
0x15: {  	[smem:$0x3FB4] =	sst s0;
	s0 =	simm.s32 @!p2 $0x0  }
0x16: {  	s3 =	sld [smem:$0x3FDB];
	s0 =	simm.s32 @p2 $0x1  }
0x17: {  	s4 =	simm.s32 $0x1BF5;
	[smem:$0x3FB6] =	sst s0  }
0x18: {  	s0 =	sld [smem:$0x3F99];
	_ =	swait.ge [sflag:s4], $0x0  }
0x19: {  	s7 =	sld [smem:$0x3F9A]  }
0x1a: {  	s8 =	sadd.s32 $0xFFFFE003, lr  }
0x1b: {  	s9 =	sadd.s32 $0xFFFFFEF7, lr;
	s5 =	simm.s32 $0xFFFFFFFF;
	p2 =	slt.u32 s8, $0xFFFFF086  }
0x1c: {  	p1 =	slt.u32 s9, $0xF7A;
	s5 =	simm.s32 @!p2 $0x0  }
0x1d: {  	s5 =	simm.s32 @p1 $0x1;
	p0 =	seq.s32 s7, s2  }
0x1e: {  	s7 =	smul.u32 @!p0 $0xF7A, s2;
	p2 =	seq.s32 @!p0 s5, $0x0  }
0x1f: {  	s9 =	smul.u32 $0xF7A, s1;
	s8 =	simm.s32 @!p0 $0x1BF5;
	p2 =	por !p2, p0  }
0x20: {  	[sflag:s8] =	ssyncset.s32 @!p0 $0xFFFFF086;
	s6 =	sadd.s32 @!p0 s3, s7;
	s7 =	simm.s32 @!p0 $0x108  }
0x21: {  	s3 =	sadd.s32 s3, s9;
	s6 =	sadd.s32 @!p0 $0x88, s6;
	s7 =	simm.s32 @p2 $0x1082  }
0x22: {  	[simem:s7], [sflag:s8] =	dma.local @!p0 [hbm:s6], $0xF7A  }
0x23: {  	s9 =	sor.u32 $0xD0000000, s2;
	s6 =	simm.s32 $0x108;
	_ =	swait.ge @!p0 [sflag:s8], $0x0  }
0x24: {  	s3 =	sadd.s32 $0x88, s3;
	s6 =	simm.s32 @!p1 $0x1082;
	[sflag:s4] =	ssyncset.s32 $0xFFFFF086  }
0x25: {  	[simem:s6], [sflag:s4] =	dma.local [hbm:s3], $0xF7A  }
0x26: {  	[smem:$0x3F9A] =	sst s1;
	(tag) =	ssettag s2;
	_ =	strace s9  }
0x27: {  	s1 =	sld [smem:$0x3FAA]  }
0x28: {  	s2 =	sld [smem:$0x3FAB]  }
0x29: {  	s4 =	sld [smem:$0x3FAD]  }
0x2a: {  	p0 =	seq.s32 s5, $0x0;
	s5 =	sld [smem:$0x3FAE]  }
0x2b: {  	s6 =	sld [smem:$0x3FAF]  }
0x2c: {  	s7 =	sld [smem:$0x3FB0]  }
0x2d: {  	s3 =	simm.s32 $0x108;
	s8 =	sld [smem:$0x3FB1]  }
0x2e: {  	s3 =	simm.s32 @!p0 $0x1082;
	s9 =	sld [smem:$0x3FB2]  }
0x2f: {  	lr =	sadd.s32 s0, s3;
	s0 =	sld [smem:$0x3FA9]  }
0x30: {  	s3 =	sld [smem:$0x3FAC]  }
0x31: {  	[smem:$0x3FB5] =	sst s10  }
0x32: {  	s10 =	sld [smem:$0x3FB3];
	_ =	sdelay $0x3  }
0x33: {  	p0 =	seq.s32 s10, $0x1;
	s10 =	sld [smem:$0x3FB5];
	_ =	sdelay $0x3  }
0x34: {  	[smem:$0x3FB5] =	sst s10  }
0x35: {  	s10 =	sld [smem:$0x3FB4];
	_ =	sdelay $0x3  }
0x36: {  	p1 =	seq.s32 s10, $0x1;
	s10 =	sld [smem:$0x3FB5];
	_ =	sdelay $0x3  }
0x37: {  	[smem:$0x3FB5] =	sst s10  }
0x38: {  	s10 =	sld [smem:$0x3FB6]  }
0x39: {  	_ = 	snop;
	(pc) =	sbr.ind lr, $3  }
0x3a: {  	_ = 	snop  }
0x3b: {  	_ = 	snop  }
0x3c: {  	p2 =	seq.s32 s10, $0x1;
	s10 =	sld [smem:$0x3FB5]  }
0x3d: {  	_ =	shalt  }
0x3e: {  	_ =	shalt  }
0x3f: {  	_ =	shalt  }
0x40: {  	_ =	shalt  }
0x41: {  	_ =	shalt  }
0x42: {  	_ =	shalt  }
0x43: {  	_ =	shalt  }
0x44: {  	_ =	shalt  }
0x45: {  	_ =	shalt  }
0x46: {  	_ =	shalt  }
0x47: {  	_ =	shalt  }
0x48: {  	_ =	shalt  }
0x49: {  	_ =	shalt  }
0x4a: {  	_ =	shalt  }
0x4b: {  	_ =	shalt  }
0x4c: {  	_ =	shalt  }
0x4d: {  	_ =	shalt  }
0x4e: {  	_ =	shalt  }
0x4f: {  	_ =	shalt  }
0x50: {  	_ =	shalt  }
0x51: {  	_ =	shalt  }
0x52: {  	_ =	shalt  }
0x53: {  	_ =	shalt  }
0x54: {  	_ =	shalt  }
0x55: {  	_ =	shalt  }
0x56: {  	_ =	shalt  }
0x57: {  	_ =	shalt  }
0x58: {  	_ =	shalt  }
0x59: {  	_ =	shalt  }
0x5a: {  	_ =	shalt  }
0x5b: {  	_ =	shalt  }
0x5c: {  	_ =	shalt  }
0x5d: {  	_ =	shalt  }
0x5e: {  	_ =	shalt  }
0x5f: {  	_ =	shalt  }
0x60: {  	_ =	shalt  }
0x61: {  	_ =	shalt  }
0x62: {  	_ =	shalt  }
0x63: {  	_ =	shalt  }
0x64: {  	_ =	shalt  }
0x65: {  	_ =	shalt  }
0x66: {  	_ =	shalt  }
0x67: {  	_ =	shalt  }
0x68: {  	_ =	shalt  }
0x69: {  	_ =	shalt  }
0x6a: {  	_ =	shalt  }
0x6b: {  	_ =	shalt  }
0x6c: {  	_ =	shalt  }
0x6d: {  	_ =	shalt  }
0x6e: {  	_ =	shalt  }
0x6f: {  	_ =	shalt  }
0x70: {  	_ =	shalt  }
0x71: {  	_ =	shalt  }
0x72: {  	_ =	shalt  }
0x73: {  	_ =	shalt  }
0x74: {  	_ =	shalt  }
0x75: {  	_ =	shalt  }
0x76: {  	_ =	shalt  }
0x77: {  	_ =	shalt  }
0x78: {  	_ =	shalt  }
0x79: {  	_ =	shalt  }
0x7a: {  	_ =	shalt  }
0x7b: {  	_ =	shalt  }
0x7c: {  	_ =	shalt  }
0x7d: {  	_ =	shalt  }
0x7e: {  	_ =	shalt  }
0x7f: {  	_ =	shalt  }
0x80: {  	_ =	shalt  }
0x81: {  	_ =	shalt  }
0x82: {  	_ =	shalt  }
0x83: {  	_ =	shalt  }
0x84: {  	_ =	shalt  }
0x85: {  	_ =	shalt  }
0x86: {  	_ =	shalt  }
0x87: {  	_ =	shalt  }
.Lfunc_end0:
.L_simem_size_0:
called_computation.1_lowered:
.L_overlay_start_0:
0x88: {  	s2 =	sld [smem:$0x3FD9]  }
0x89: {  	s3 =	sld [smem:$0x3FFE];
	_ =	sdelay $0x1  }
0x8a: {  	s1 =	srdreg.scid  }
0x8b: {  	s0 =	sand.u32 $0x1, s1  }
0x8c: {  	s17 =	sshll.u32 s0, $0xA;
	s2 =	sadd.s32 s3, s2  }
0x8d: {  	s2 =	sadd.s32 s2, s17  }
0x8e: {  	[smem:$0x3FC1] =	sst s2  }
0x8f: {  	_ = 	snop  }
0x90: {  	s2 =	sld [smem:$0x3FD0];
	(tm) =	ssettm $0x1  }
0x91: {  	s18 =	sld [smem:$0x3FFB];
	_ =	sdelay $0x3  }
0x92: {  	_ =	strace s18  }
0x93: {  	s3 =	sld [smem:$0x3FFC];
	_ =	sdelay $0x3  }
0x94: {  	_ =	strace s3  }
0x95: {  	s3 =	sld [smem:$0x3FFD];
	_ =	sdelay $0x3  }
0x96: {  	_ =	strace s3  }
0x97: {  	_ =	strace $0x8FFFFFFF  }
0x98: {  	s19 =	sld [smem:$0x3FDB];
	_ =	sdelay $0x1  }
0x99: {  	s4 =	simm.s32 $_scs_section_size  }
0x9a: {  	s5 =	simm.s32 $_size__tile_overlayer_lowered;
	s6 =	simm.s32 $_tile_overlayer_lowered  }
0x9b: {  	s22 =	simm.s32 $0x1BFF;
	s21 =	sshll.u32 s6, $0x1;
	s3 =	sadd.s32 s4, s19  }
0x9c: {  	s7 =	simm.s32 $0x0;
	s20 =	sshll.u32 s5, $0x1;
	s5 =	sadd.s32 s21, s3  }
0x9d: {  	[timem:s7], [sflag:s22] =	dma.local [hbm:s5], s20  }
0x9e: {  	_ =	swait.ge [sflag:s22], s20  }
0x9f: {  	s4 =	ssub.s32 $0x0, s20;
	[sflag:s22] =	ssyncset.done $0x0  }
0xa0: {  	[sflag:s22] =	ssyncadd.s32 s4;
	_ =	sdelay $0x1  }
0xa1: {  	s23 =	simm.s32 $0x1B8B  }
0xa2: {  	_ =	swait.ge [sflag:s23], $0x1  }
0xa3: {  	[sflag:s23] =	ssyncset.done $0x0  }
0xa4: {  	s25 =	simm.s32 $0x1B8E;
	s24 =	sld [smem:$0x3FFE];
	[sflag:s23] =	ssyncadd.s32 $0xFFFFFFFF  }
0xa5: {  	s26 =	simm.s32 $execute0_lowered;
	[smem:$0x3FD2] =	sst s25  }
0xa6: {  	s5 =	sshll.u32 s26, $0x1;
	_ =	strace $0x80000046;
	[dreg:$0x1] =	wrdreg $0xFFFFFFFF  }
0xa7: {  	s28 =	simm.s32 $_size_execute0_lowered;
	s3 =	sadd.s32 s3, s5;
	[dreg:$0x0] =	wrdreg $0x0  }
0xa8: {  	s5 =	sshll.u32 s28, $0x1;
	[dreg:$0x2] =	wrdreg s3  }
0xa9: {  	[dreg:$0x3] =	wrdreg s5  }
0xaa: {  	[dreg:$0x4] =	wrdreg $0xC0  }
0xab: {  	_ =	task [dreg:s7], $0x5FFFF  }
0xac: {  	[dreg:$0x1] =	wrdreg $0xFFFFFFFF  }
0xad: {  	[dreg:$0x0] =	wrdreg $0x60  }
0xae: {  	[dreg:$0x2] =	wrdreg s24  }
0xaf: {  	[dreg:$0x3] =	wrdreg s2  }
0xb0: {  	[dreg:$0x4] =	wrdreg $0xA  }
0xb1: {  	_ =	task.clear_ibuf [dreg:s7], $0x5FFFF;
	_ =	strace $0x90000046  }
0xb2: {  	s29 =	simm.s32 $0xA;
	_ =	strace $0x80000048  }
0xb3: {  	_ =	swait.ge [sflag:s29], $0x1  }
0xb4: {  	[sflag:s29] =	ssyncadd.s32 $0xFFFFFFFF  }
0xb5: {  	_ =	strace $0x90000048  }
0xb6: {  	_ =	sfence  }
0xb7: {  	s30 =	sld [smem:$0x0];
	_ =	sdelay $0x2  }
0xb8: {  	s31 =	sshll.u32 s1, $0xD;
	s1 =	sshrl.u32 s1, $0x2  }
0xb9: {  	s3 =	sand.u32 $0x4000, s31;
	s1 =	sadd.s32 s1, s30  }
0xba: {  	s0 =	sor.u32 s3, s0;
	s1 =	sshll.u32 s1, $0x11  }
0xbb: {  	s0 =	sor.u32 s1, s0  }
0xbc: {  	s0 =	sadd.s32 $0x8F2B, s0  }
0xbd: {  	[sflag:s0] =	ssyncadd.remote.s32 $0x1  }
0xbe: {  	_ =	sfence.sel $0xFFFF  }
0xbf: {  	[dreg:$0x0] =	wrdreg $0xFFFFFFFF;
	(pc) =	sbr.abs _section_cstart, $3  }
0xc0: {  	[dreg:$0x1] =	wrdreg $0xFFFFFFFF  }
0xc1: {  	_ =	task.clear_ibuf [dreg:s7], $0x2FFFF;
	_ =	strace $0x9FFFFFFF  }
0xc2: {  	(tm) =	ssettm $0x7FFFFFFF  }
0xc3: {  	_ =	shalt  }
tec
execute0_lowered:
.L_overlay_start_1:
0x0: {  	(tag) =	ssettag $0x1  }
0x1: {  	s1 =	srdreg.scid;
	s0 =	stileid.u32  }
0x2: {  	s10 =	rddreg [dreg:$0x0];
	s29 =	sand.u32 $0x1, s1;
	s26 =	sshll.u32 s0, $0x1  }
0x3: {  	s3 =	rddreg [dreg:$0x1];
	s11 =	sor.u32 s29, s26  }
0x4: {  	s2 =	simm.s32 $0x0;
	s1 =	rddreg [dreg:$0x2];
	s4 =	smul.u32 $0x140, s11  }
0x5: {  	[smem:$0x7FF] =	sst s2  }
0x6: {  	_ =	strace $0x80000047;
	s4 =	sadd.s32 s3, s4;
	s3 =	simm.s32 $0x3  }
0x7: {  	[tilespmem:s2], [sflag:$0x3] =	stream.linear.gather [hbm4b:s4+s2], $0xA00, $0x38;
	[tilespmem:$0x10A00] =	vst v63  }
0x8: {  	_ =	swait.ge [sflag:s3], $0xA00  }
0x9: {  	s6 =	simm.s32 $0x100;
	[sflag:s3] =	ssyncset.done $0x0  }
0xa: {  	s7 =	simm.s32 $0xA00;
	s5 =	sadd.s32 $0xF74200, s10;
	[sflag:s3] =	ssyncadd.s32 $0xFFFFF600  }
0xb: {  	[tilespmem:s7], [sflag:$0x1] =	stream.indirect.gather [hbm4b:s5+s6], $0x80, s2, s6, $0xb8;
	[tilespmem:$0x10A00] =	vst v63  }
0xc: {  	s8 =	simm.s32 $0x8A00;
	s9 =	simm.s32 $0x1;
	s12 =	smul.u32 $0x50000, s11  }
0xd: {  	[tilespmem:s8], [sflag:$0x2] =	stream.indirect.gather [hbm4b:s5+s6], $0x80, s6, s6, $0xb8;
	[tilespmem:$0x10A00] =	vst v63  }
0xe: {  	_ =	swait.ge [sflag:s9], $0x8000  }
0xf: {  	s13 =	sadd.s32 $0x31E00, s10;
	s31 =	sshrl.u32 s12, $0x3;
	[sflag:s9] =	ssyncset.done $0x0  }
0x10: {  	s10 =	sadd.s32 s13, s31;
	[sflag:s9] =	ssyncadd.s32 $0xFFFF8000  }
0x11: {  	[hbm4b:s10+s2] =	stream.linear.scatter [tilespmem:s7], [sflag:$0x3], $0x8000, $0x38;
	[tilespmem:$0x10A00] =	vst v63  }
0x12: {  	_ =	swait.ge [sflag:s3], $0x8000  }
0x13: {  	s14 =	smul.u32 $0xA000, s11;
	[sflag:s3] =	ssyncset.done $0x0  }
0x14: {  	s11 =	simm.s32 $0x200;
	s12 =	simm.s32 $0x2;
	[sflag:s3] =	ssyncadd.s32 $0xFFFF8000  }
0x15: {  	[tilespmem:s7], [sflag:$0x1] =	stream.indirect.gather [hbm4b:s5+s6], $0x80, s11, s6, $0xb8;
	[tilespmem:$0x10A00] =	vst v63  }
0x16: {  	_ =	swait.ge [sflag:s12], $0x8000  }
0x17: {  	s25 =	sadd.s32 s13, s14;
	[sflag:s12] =	ssyncset.done $0x0  }
0x18: {  	s13 =	sadd.s32 $0x1000, s25;
	[sflag:s12] =	ssyncadd.s32 $0xFFFF8000  }
0x19: {  	[hbm4b:s13+s2] =	stream.linear.scatter [tilespmem:s8], [sflag:$0x3], $0x8000, $0x38;
	[tilespmem:$0x10A00] =	vst v63  }
0x1a: {  	_ =	swait.ge [sflag:s3], $0x8000  }
0x1b: {  	[sflag:s3] =	ssyncset.done $0x0  }
0x1c: {  	s14 =	simm.s32 $0x300;
	[sflag:s3] =	ssyncadd.s32 $0xFFFF8000  }
0x1d: {  	[tilespmem:s8], [sflag:$0x2] =	stream.indirect.gather [hbm4b:s5+s6], $0x80, s14, s6, $0xb8;
	[tilespmem:$0x10A00] =	vst v63  }
0x1e: {  	_ =	swait.ge [sflag:s9], $0x8000  }
0x1f: {  	[sflag:s9] =	ssyncset.done $0x0  }
0x20: {  	s15 =	sadd.s32 $0x2000, s10;
	[sflag:s9] =	ssyncadd.s32 $0xFFFF8000  }
0x21: {  	[hbm4b:s15+s2] =	stream.linear.scatter [tilespmem:s7], [sflag:$0x3], $0x8000, $0x38;
	[tilespmem:$0x10A00] =	vst v63  }
0x22: {  	_ =	swait.ge [sflag:s3], $0x8000  }
0x23: {  	[sflag:s3] =	ssyncset.done $0x0  }
0x24: {  	s16 =	simm.s32 $0x400;
	[sflag:s3] =	ssyncadd.s32 $0xFFFF8000  }
0x25: {  	[tilespmem:s7], [sflag:$0x1] =	stream.indirect.gather [hbm4b:s5+s6], $0x80, s16, s6, $0xb8;
	[tilespmem:$0x10A00] =	vst v63  }
0x26: {  	_ =	swait.ge [sflag:s12], $0x8000  }
0x27: {  	[sflag:s12] =	ssyncset.done $0x0  }
0x28: {  	s17 =	sadd.s32 $0x3000, s25;
	[sflag:s12] =	ssyncadd.s32 $0xFFFF8000  }
0x29: {  	[hbm4b:s17+s2] =	stream.linear.scatter [tilespmem:s8], [sflag:$0x3], $0x8000, $0x38;
	[tilespmem:$0x10A00] =	vst v63  }
0x2a: {  	_ =	swait.ge [sflag:s3], $0x8000  }
0x2b: {  	[sflag:s3] =	ssyncset.done $0x0  }
0x2c: {  	s18 =	simm.s32 $0x500;
	[sflag:s3] =	ssyncadd.s32 $0xFFFF8000  }
0x2d: {  	[tilespmem:s8], [sflag:$0x2] =	stream.indirect.gather [hbm4b:s5+s6], $0x80, s18, s6, $0xb8;
	[tilespmem:$0x10A00] =	vst v63  }
0x2e: {  	_ =	swait.ge [sflag:s9], $0x8000  }
0x2f: {  	[sflag:s9] =	ssyncset.done $0x0  }
0x30: {  	s19 =	sadd.s32 $0x4000, s10;
	[sflag:s9] =	ssyncadd.s32 $0xFFFF8000  }
0x31: {  	[hbm4b:s19+s2] =	stream.linear.scatter [tilespmem:s7], [sflag:$0x3], $0x8000, $0x38;
	[tilespmem:$0x10A00] =	vst v63  }
0x32: {  	_ =	swait.ge [sflag:s3], $0x8000  }
0x33: {  	[sflag:s3] =	ssyncset.done $0x0  }
0x34: {  	s20 =	simm.s32 $0x600;
	[sflag:s3] =	ssyncadd.s32 $0xFFFF8000  }
0x35: {  	[tilespmem:s7], [sflag:$0x1] =	stream.indirect.gather [hbm4b:s5+s6], $0x80, s20, s6, $0xb8;
	[tilespmem:$0x10A00] =	vst v63  }
0x36: {  	_ =	swait.ge [sflag:s12], $0x8000  }
0x37: {  	[sflag:s12] =	ssyncset.done $0x0  }
0x38: {  	s21 =	sadd.s32 $0x5000, s25;
	[sflag:s12] =	ssyncadd.s32 $0xFFFF8000  }
0x39: {  	[hbm4b:s21+s2] =	stream.linear.scatter [tilespmem:s8], [sflag:$0x3], $0x8000, $0x38;
	[tilespmem:$0x10A00] =	vst v63  }
0x3a: {  	_ =	swait.ge [sflag:s3], $0x8000  }
0x3b: {  	[sflag:s3] =	ssyncset.done $0x0  }
0x3c: {  	s22 =	simm.s32 $0x700;
	[sflag:s3] =	ssyncadd.s32 $0xFFFF8000  }
0x3d: {  	[tilespmem:s8], [sflag:$0x2] =	stream.indirect.gather [hbm4b:s5+s6], $0x80, s22, s6, $0xb8;
	[tilespmem:$0x10A00] =	vst v63  }
0x3e: {  	_ =	swait.ge [sflag:s9], $0x8000  }
0x3f: {  	[sflag:s9] =	ssyncset.done $0x0  }
0x40: {  	s23 =	sadd.s32 $0x6000, s10;
	[sflag:s9] =	ssyncadd.s32 $0xFFFF8000  }
0x41: {  	[hbm4b:s23+s2] =	stream.linear.scatter [tilespmem:s7], [sflag:$0x3], $0x8000, $0x38;
	[tilespmem:$0x10A00] =	vst v63  }
0x42: {  	_ =	swait.ge [sflag:s3], $0x8000  }
0x43: {  	[sflag:s3] =	ssyncset.done $0x0  }
0x44: {  	s24 =	simm.s32 $0x800;
	[sflag:s3] =	ssyncadd.s32 $0xFFFF8000  }
0x45: {  	[tilespmem:s7], [sflag:$0x1] =	stream.indirect.gather [hbm4b:s5+s6], $0x80, s24, s6, $0xb8;
	[tilespmem:$0x10A00] =	vst v63  }
0x46: {  	_ =	swait.ge [sflag:s12], $0x8000  }
0x47: {  	[sflag:s12] =	ssyncset.done $0x0  }
0x48: {  	s25 =	sadd.s32 $0x7000, s25;
	[sflag:s12] =	ssyncadd.s32 $0xFFFF8000  }
0x49: {  	[hbm4b:s25+s2] =	stream.linear.scatter [tilespmem:s8], [sflag:$0x3], $0x8000, $0x38;
	[tilespmem:$0x10A00] =	vst v63  }
0x4a: {  	_ =	swait.ge [sflag:s3], $0x8000  }
0x4b: {  	[sflag:s3] =	ssyncset.done $0x0  }
0x4c: {  	s26 =	simm.s32 $0x900;
	[sflag:s3] =	ssyncadd.s32 $0xFFFF8000  }
0x4d: {  	[tilespmem:s8], [sflag:$0x2] =	stream.indirect.gather [hbm4b:s5+s6], $0x80, s26, s6, $0xb8;
	[tilespmem:$0x10A00] =	vst v63  }
0x4e: {  	_ =	swait.ge [sflag:s9], $0x8000  }
0x4f: {  	[sflag:s9] =	ssyncset.done $0x0  }
0x50: {  	s29 =	ssub.s32 $0x2, s29;
	s28 =	sadd.s32 $0x8000, s10;
	[sflag:s9] =	ssyncadd.s32 $0xFFFF8000  }
0x51: {  	[hbm4b:s28+s2] =	stream.linear.scatter [tilespmem:s7], [sflag:$0x3], $0x8000, $0x38;
	[tilespmem:$0x10A00] =	vst v63  }
0x52: {  	s30 =	sshrl.u32 s29, $0x1;
	_ =	swait.ge [sflag:s3], $0x8000  }
0x53: {  	s29 =	ssub.s32 s29, s30;
	[sflag:s3] =	ssyncset.done $0x0  }
0x54: {  	s30 =	smax.u32 s29, $0x1;
	[sflag:s3] =	ssyncadd.s32 $0xFFFF8000  }
0x55: {  	p0 =	sne.s32 s30, $0x1;
	_ =	swait.ge [sflag:s12], $0x8000  }
.Ltmp0:
0x56: {  	[sflag:s12] =	ssyncset.done $0x0;
	(pc) =	sbr.rel @!p0 .LBB2_2-.Ltmp0, $4  }
0x57: {  	s29 =	sadd.s32 $0x9000, s10;
	[sflag:s12] =	ssyncadd.s32 $0xFFFF8000  }
0x58: {  	[hbm4b:s29+s2] =	stream.linear.scatter [tilespmem:s8], [sflag:$0x3], $0x8000, $0x38;
	[tilespmem:$0x10A00] =	vst v63  }
0x59: {  	_ =	swait.ge [sflag:s3], $0x8000  }
0x5a: {  	s30 =	sadd.s32 $0xFFFFFFFF, s30;
	[sflag:s3] =	ssyncset.done $0x0  }
.LBB2_1:
0x5b: {  	p0 =	sne.s32 s30, $0x1;
	s30 =	sadd.s32 $0xFFFFFFFF, s30;
	[sflag:s3] =	ssyncadd.s32 $0xFFFF8000  }
0x5c: {  	[tilespmem:s2], [sflag:$0x3] =	stream.linear.gather [hbm4b:s4+s2], $0xA00, $0x38;
	[tilespmem:$0x10A00] =	vst v63  }
0x5d: {  	_ =	swait.ge [sflag:s3], $0xA00  }
0x5e: {  	[sflag:s3] =	ssyncset.done $0x0  }
0x5f: {  	[sflag:s3] =	ssyncadd.s32 $0xFFFFF600  }
0x60: {  	[tilespmem:s7], [sflag:$0x1] =	stream.indirect.gather [hbm4b:s5+s6], $0x80, s2, s6, $0xb8;
	[tilespmem:$0x10A00] =	vst v63  }
0x61: {  	_ = 	snop  }
0x62: {  	[tilespmem:s8], [sflag:$0x2] =	stream.indirect.gather [hbm4b:s5+s6], $0x80, s6, s6, $0xb8;
	[tilespmem:$0x10A00] =	vst v63  }
0x63: {  	_ =	swait.ge [sflag:s9], $0x8000  }
0x64: {  	[sflag:s9] =	ssyncset.done $0x0  }
0x65: {  	[sflag:s9] =	ssyncadd.s32 $0xFFFF8000  }
0x66: {  	[hbm4b:s10+s2] =	stream.linear.scatter [tilespmem:s7], [sflag:$0x3], $0x8000, $0x38;
	[tilespmem:$0x10A00] =	vst v63  }
0x67: {  	_ =	swait.ge [sflag:s3], $0x8000  }
0x68: {  	[sflag:s3] =	ssyncset.done $0x0  }
0x69: {  	[sflag:s3] =	ssyncadd.s32 $0xFFFF8000  }
0x6a: {  	[tilespmem:s7], [sflag:$0x1] =	stream.indirect.gather [hbm4b:s5+s6], $0x80, s11, s6, $0xb8;
	[tilespmem:$0x10A00] =	vst v63  }
0x6b: {  	_ =	swait.ge [sflag:s12], $0x8000  }
0x6c: {  	[sflag:s12] =	ssyncset.done $0x0  }
0x6d: {  	[sflag:s12] =	ssyncadd.s32 $0xFFFF8000  }
0x6e: {  	[hbm4b:s13+s2] =	stream.linear.scatter [tilespmem:s8], [sflag:$0x3], $0x8000, $0x38;
	[tilespmem:$0x10A00] =	vst v63  }
0x6f: {  	_ =	swait.ge [sflag:s3], $0x8000  }
0x70: {  	[sflag:s3] =	ssyncset.done $0x0  }
0x71: {  	[sflag:s3] =	ssyncadd.s32 $0xFFFF8000  }
0x72: {  	[tilespmem:s8], [sflag:$0x2] =	stream.indirect.gather [hbm4b:s5+s6], $0x80, s14, s6, $0xb8;
	[tilespmem:$0x10A00] =	vst v63  }
0x73: {  	_ =	swait.ge [sflag:s9], $0x8000  }
0x74: {  	[sflag:s9] =	ssyncset.done $0x0  }
0x75: {  	[sflag:s9] =	ssyncadd.s32 $0xFFFF8000  }
0x76: {  	[hbm4b:s15+s2] =	stream.linear.scatter [tilespmem:s7], [sflag:$0x3], $0x8000, $0x38;
	[tilespmem:$0x10A00] =	vst v63  }
0x77: {  	_ =	swait.ge [sflag:s3], $0x8000  }
0x78: {  	[sflag:s3] =	ssyncset.done $0x0  }
0x79: {  	[sflag:s3] =	ssyncadd.s32 $0xFFFF8000  }
0x7a: {  	[tilespmem:s7], [sflag:$0x1] =	stream.indirect.gather [hbm4b:s5+s6], $0x80, s16, s6, $0xb8;
	[tilespmem:$0x10A00] =	vst v63  }
0x7b: {  	_ =	swait.ge [sflag:s12], $0x8000  }
0x7c: {  	[sflag:s12] =	ssyncset.done $0x0  }
0x7d: {  	[sflag:s12] =	ssyncadd.s32 $0xFFFF8000  }
0x7e: {  	[hbm4b:s17+s2] =	stream.linear.scatter [tilespmem:s8], [sflag:$0x3], $0x8000, $0x38;
	[tilespmem:$0x10A00] =	vst v63  }
0x7f: {  	_ =	swait.ge [sflag:s3], $0x8000  }
0x80: {  	[sflag:s3] =	ssyncset.done $0x0  }
0x81: {  	[sflag:s3] =	ssyncadd.s32 $0xFFFF8000  }
0x82: {  	[tilespmem:s8], [sflag:$0x2] =	stream.indirect.gather [hbm4b:s5+s6], $0x80, s18, s6, $0xb8;
	[tilespmem:$0x10A00] =	vst v63  }
0x83: {  	_ =	swait.ge [sflag:s9], $0x8000  }
0x84: {  	[sflag:s9] =	ssyncset.done $0x0  }
0x85: {  	[sflag:s9] =	ssyncadd.s32 $0xFFFF8000  }
0x86: {  	[hbm4b:s19+s2] =	stream.linear.scatter [tilespmem:s7], [sflag:$0x3], $0x8000, $0x38;
	[tilespmem:$0x10A00] =	vst v63  }
0x87: {  	_ =	swait.ge [sflag:s3], $0x8000  }
0x88: {  	[sflag:s3] =	ssyncset.done $0x0  }
0x89: {  	[sflag:s3] =	ssyncadd.s32 $0xFFFF8000  }
0x8a: {  	[tilespmem:s7], [sflag:$0x1] =	stream.indirect.gather [hbm4b:s5+s6], $0x80, s20, s6, $0xb8;
	[tilespmem:$0x10A00] =	vst v63  }
0x8b: {  	_ =	swait.ge [sflag:s12], $0x8000  }
0x8c: {  	[sflag:s12] =	ssyncset.done $0x0  }
0x8d: {  	[sflag:s12] =	ssyncadd.s32 $0xFFFF8000  }
0x8e: {  	[hbm4b:s21+s2] =	stream.linear.scatter [tilespmem:s8], [sflag:$0x3], $0x8000, $0x38;
	[tilespmem:$0x10A00] =	vst v63  }
0x8f: {  	_ =	swait.ge [sflag:s3], $0x8000  }
0x90: {  	[sflag:s3] =	ssyncset.done $0x0  }
0x91: {  	[sflag:s3] =	ssyncadd.s32 $0xFFFF8000  }
0x92: {  	[tilespmem:s8], [sflag:$0x2] =	stream.indirect.gather [hbm4b:s5+s6], $0x80, s22, s6, $0xb8;
	[tilespmem:$0x10A00] =	vst v63  }
0x93: {  	_ =	swait.ge [sflag:s9], $0x8000  }
0x94: {  	[sflag:s9] =	ssyncset.done $0x0  }
0x95: {  	[sflag:s9] =	ssyncadd.s32 $0xFFFF8000  }
0x96: {  	[hbm4b:s23+s2] =	stream.linear.scatter [tilespmem:s7], [sflag:$0x3], $0x8000, $0x38;
	[tilespmem:$0x10A00] =	vst v63  }
0x97: {  	_ =	swait.ge [sflag:s3], $0x8000  }
0x98: {  	[sflag:s3] =	ssyncset.done $0x0  }
0x99: {  	[sflag:s3] =	ssyncadd.s32 $0xFFFF8000  }
0x9a: {  	[tilespmem:s7], [sflag:$0x1] =	stream.indirect.gather [hbm4b:s5+s6], $0x80, s24, s6, $0xb8;
	[tilespmem:$0x10A00] =	vst v63  }
0x9b: {  	_ =	swait.ge [sflag:s12], $0x8000  }
0x9c: {  	[sflag:s12] =	ssyncset.done $0x0  }
0x9d: {  	[sflag:s12] =	ssyncadd.s32 $0xFFFF8000  }
0x9e: {  	[hbm4b:s25+s2] =	stream.linear.scatter [tilespmem:s8], [sflag:$0x3], $0x8000, $0x38;
	[tilespmem:$0x10A00] =	vst v63  }
0x9f: {  	_ =	swait.ge [sflag:s3], $0x8000  }
0xa0: {  	[sflag:s3] =	ssyncset.done $0x0  }
0xa1: {  	[sflag:s3] =	ssyncadd.s32 $0xFFFF8000  }
0xa2: {  	[tilespmem:s8], [sflag:$0x2] =	stream.indirect.gather [hbm4b:s5+s6], $0x80, s26, s6, $0xb8;
	[tilespmem:$0x10A00] =	vst v63  }
0xa3: {  	_ =	swait.ge [sflag:s9], $0x8000  }
0xa4: {  	[sflag:s9] =	ssyncset.done $0x0  }
0xa5: {  	[sflag:s9] =	ssyncadd.s32 $0xFFFF8000  }
0xa6: {  	[hbm4b:s28+s2] =	stream.linear.scatter [tilespmem:s7], [sflag:$0x3], $0x8000, $0x38;
	[tilespmem:$0x10A00] =	vst v63  }
0xa7: {  	_ =	swait.ge [sflag:s3], $0x8000  }
0xa8: {  	[sflag:s3] =	ssyncset.done $0x0  }
0xa9: {  	[sflag:s3] =	ssyncadd.s32 $0xFFFF8000  }
0xaa: {  	_ =	swait.ge [sflag:s12], $0x8000  }
.Ltmp1:
0xab: {  	[sflag:s12] =	ssyncset.done $0x0;
	(pc) =	sbr.rel @p0 .LBB2_1-.Ltmp1, $4  }
0xac: {  	[sflag:s12] =	ssyncadd.s32 $0xFFFF8000  }
0xad: {  	[hbm4b:s29+s2] =	stream.linear.scatter [tilespmem:s8], [sflag:$0x3], $0x8000, $0x38;
	[tilespmem:$0x10A00] =	vst v63  }
0xae: {  	_ =	swait.ge [sflag:s3], $0x8000  }
0xaf: {  	[sflag:s3] =	ssyncset.done $0x0  }
.LBB2_2:
0xb0: {  	[sflag:s3] =	ssyncadd.s32 $0xFFFF8000  }
0xb1: {  	_ =	sfence.sel $0x180000  }
0xb2: {  	[bflag:$0x0] =	sbarrier.arrive $0xFFFF  }
0xb3: {  	p0 =	sne.s32 s0, $0x0;
	_ =	strace $0x90000047  }
0xb4: {  	s0 =	sadd.s32 @!p0 $0x100000, s1;
	[bflag:$0x2] =	sbarrier.arrive $0xFFFF  }
0xb5: {  	[sflag:s0] =	ssyncadd.tile.s32 @!p0 $0x1;
	_ =	shalt  }
.Lfunc_end2:
_tile_overlayer_lowered:
.L_overlay_start_2:
0xb6: {  	(tag) =	ssettag $0x2  }
0xb7: {  	s0 =	rddreg [dreg:$0x0];
	s2 =	stileid.u32  }
0xb8: {  	s1 =	rddreg [dreg:$0x1];
	p0 =	sne.s32 s2, $0x0  }
0xb9: {  	s3 =	rddreg [dreg:$0x2];
	[bflag:$0x3] =	sbarrier.arrive $0xFFFF;
	s2 =	simm.s32 @!p0 $0x1C03  }
0xba: {  	[timem:s3], [sflag:s2] =	dma.local @!p0 [hbm:s0], s1  }
0xbb: {  	s0 =	simm.s32 @!p0 $0x3  }
0xbc: {  	_ =	swait.ge @!p0 [sflag:s0], s1  }
0xbd: {  	s1 =	ssub.s32 @!p0 $0x0, s1;
	[sflag:s0] =	ssyncset.done @!p0 $0x0  }
0xbe: {  	[sflag:s0] =	ssyncadd.s32 @!p0 s1  }
0xbf: {  	[bflag:$0x3] =	sbarrier.arrive $0xFFFF  }
0xc0: {  	_ =	shalt  }

</sc_bundles>
